<compile_context>
chip_gen: v7x
topology: tpu7x:2x2x1
jax: 0.10.2.dev20260603
libtpu: 0.0.44.dev20260713+nightly
codegen_flags: <defaults>
</compile_context>

<pallas_src>
import functools

import jax
import jax.numpy as jnp
from jax import lax
from jax.experimental import pallas as pl
from jax.experimental.pallas import tpu as pltpu
from jax.experimental.pallas import tpu_sc as plsc

VOCAB = 100000
D = 300
DP = 304
B = 4096
HIST = 50
L = 16
NC, NS = 2, 16
NW = NC * NS
BPW = B // NW
SCALE = 1.0 / HIST
OFFS = tuple(range(0, DP, L))

_mesh = plsc.VectorSubcoreMesh(core_axis_name="c", subcore_axis_name="s")


@functools.partial(
    pl.kernel,
    mesh=_mesh,
    out_type=jax.ShapeDtypeStruct((B, DP), jnp.float32),
    scratch_types=[
        pltpu.VMEM((BPW, HIST), jnp.int32),
        pltpu.VMEM((HIST, DP), jnp.float32),
        pltpu.VMEM((HIST, DP), jnp.float32),
        pltpu.VMEM((BPW, DP), jnp.float32),
        pltpu.SemaphoreType.DMA,
        pltpu.SemaphoreType.DMA,
    ],
    compiler_params=pltpu.CompilerParams(use_tc_tiling_on_sc=False),
)
def _pool_kernel(table_hbm, idx_hbm, out_hbm, idx_v, buf_a, buf_b, acc_v,
                 sem_a, sem_b):
    wid = lax.axis_index("s") * NC + lax.axis_index("c")
    base = wid * BPW
    pltpu.sync_copy(idx_hbm.at[pl.ds(base, BPW)], idx_v)

    def start(i, buf, sem):
        pltpu.async_copy(table_hbm.at[idx_v.at[i]], buf, sem)

    def wait(buf, sem):
        pltpu.make_async_copy(table_hbm.at[pl.ds(0, HIST)], buf, sem).wait()

    def acc_elem(i, buf):
        def body(j, accs):
            return tuple(a + buf[j, pl.ds(o, L)] for a, o in zip(accs, OFFS))

        accs = lax.fori_loop(
            0, HIST, body,
            tuple(jnp.zeros((L,), jnp.float32) for _ in OFFS),
        )
        for a, o in zip(accs, OFFS):
            acc_v[i, pl.ds(o, L)] = a * SCALE

    start(0, buf_a, sem_a)
    start(1, buf_b, sem_b)

    def pipeline(t, carry):
        i0 = 2 * t
        wait(buf_a, sem_a)
        acc_elem(i0, buf_a)
        start((i0 + 2) % BPW, buf_a, sem_a)
        wait(buf_b, sem_b)
        acc_elem(i0 + 1, buf_b)
        start((i0 + 3) % BPW, buf_b, sem_b)
        return carry

    lax.fori_loop(0, BPW // 2, pipeline, 0)
    wait(buf_a, sem_a)
    wait(buf_b, sem_b)
    pltpu.sync_copy(acc_v, out_hbm.at[pl.ds(base, BPW)])


RB = 4000


def _pad_body(x_ref, o_ref):
    o_ref[...] = jnp.pad(x_ref[...], ((0, 0), (0, DP - D)))


_pad_tc = pl.pallas_call(
    _pad_body,
    grid=(VOCAB // RB,),
    in_specs=[pl.BlockSpec((RB, D), lambda i: (i, 0))],
    out_specs=pl.BlockSpec((RB, DP), lambda i: (i, 0)),
    out_shape=jax.ShapeDtypeStruct((VOCAB, DP), jnp.float32),
    compiler_params=pltpu.CompilerParams(
        dimension_semantics=("parallel",)),
)


MB = 512


def _mm_body(x_ref, w_ref, b_ref, o_ref):
    o_ref[...] = lax.dot_general(
        x_ref[...], w_ref[...], (((1,), (1,)), ((), ())),
        preferred_element_type=jnp.float32,
    ) + b_ref[...]


_matmul = pl.pallas_call(
    _mm_body,
    grid=(B // MB,),
    in_specs=[
        pl.BlockSpec((MB, DP), lambda i: (i, 0)),
        pl.BlockSpec((D, DP), lambda i: (0, 0)),
        pl.BlockSpec((1, D), lambda i: (0, 0)),
    ],
    out_specs=pl.BlockSpec((MB, D), lambda i: (i, 0)),
    out_shape=jax.ShapeDtypeStruct((B, D), jnp.float32),
)


def kernel(table, W, b, indices):
    idx = indices.astype(jnp.int32)
    table_p = _pad_tc(table)
    w_p = jnp.pad(W, ((0, 0), (0, DP - D)))
    pooled = _pool_kernel(table_p, idx)
    return _matmul(pooled, w_p, b.reshape(1, D))

# --- scband reference (transcript-rebuilt; emitter-appended) ---
"""Pipeline reference for scband-emoji-encoder-46153718563210 (READ-ONLY COPY).

The authoritative reference and input builder live on the scoring server;
editing this copy changes nothing except your own understanding.
"""

import jax, jax.numpy as jnp
import numpy as np

VOCAB = 100000
VEC_SIZE = 300
EMOJI_DIM = 300
BATCH = 4096
HIST = 50

def setup_inputs(seed: int = 0) -> dict:
    key = jax.random.key(seed)
    k1, k2, k3, k4 = jax.random.split(key, 4)
    indices = jax.random.randint(k1, (BATCH, HIST), 0, VOCAB, dtype=jnp.int64 if jax.config.jax_enable_x64 else jnp.int32)
    table = jax.random.normal(k2, (VOCAB, VEC_SIZE), dtype=jnp.float32) * 0.02
    W = jax.random.normal(k3, (EMOJI_DIM, VEC_SIZE), dtype=jnp.float32) * (1.0 / np.sqrt(VEC_SIZE))
    b = jax.random.normal(k4, (EMOJI_DIM,), dtype=jnp.float32) * 0.01
    return {"table": table, "W": W, "b": b, "indices": indices}

def reference(table, W, b, indices):
    # Emoji2Vec lookup: gather per-character emoji vectors for each text
    emoji_vecs = jnp.take(table, indices, axis=0)            # [B, L, vec_size]
    # Mean-pool over the emojis found in each text (torch.mean over axis=0 per text)
    pooled = jnp.mean(emoji_vecs, axis=1)                    # [B, vec_size]
    # nn.Linear(vector_size, emoji_dim): y = x @ W.T + b
    out = pooled @ W.T + b                                   # [B, emoji_dim]
    return out

if __name__ == "__main__":
    import jax
    _d = setup_inputs()
    print(jax.jit(kernel)(*tuple(_d.values())))

</pallas_src>

<mosaic_0001>
#map = affine_map<(d0, d1) -> (0, 0)>
module attributes {stable_mosaic.version = 14 : i64} {
  func.func @_pool_kernel(%arg0: i32, %arg1: i32, %arg2: memref<100000x304xf32, #tpu.memory_space<hbm>>, %arg3: memref<4096x50xi32, #tpu.memory_space<hbm>>, %arg4: memref<4096x304xf32, #tpu.memory_space<hbm>>, %arg5: memref<128x50xi32, #tpu.memory_space<vmem>>, %arg6: memref<50x304xf32, #tpu.memory_space<vmem>>, %arg7: memref<50x304xf32, #tpu.memory_space<vmem>>, %arg8: memref<128x304xf32, #tpu.memory_space<vmem>>, %arg9: memref<!tpu.dma_semaphore, #tpu.memory_space<semaphore_mem>>, %arg10: memref<!tpu.dma_semaphore, #tpu.memory_space<semaphore_mem>>) attributes {dimension_semantics = [#tpu.dimension_semantics<core_parallel>, #tpu.dimension_semantics<subcore_parallel>], iteration_bounds = array<i64: 2, 16>, scalar_prefetch = 0 : i64, scratch_operands = 6 : i64, tpu.core_type = #tpu.core_type<sc_vector_subcore>, window_params = [{transform_indices = #map}, {transform_indices = #map}, {transform_indices = #map}]} {
    %mul3A = arith.constant 2 : i32
    %mul3A_0 = arith.muli %arg1, %mul3A : i32
    %add3A = arith.addi %mul3A_0, %arg0 : i32
    %mul3A_1 = arith.constant 128 : i32
    %mul3A_2 = arith.muli %add3A, %mul3A_1 : i32
    "tpu.region"() ({
      %run_scoped3A = tpu.sem_alloc : memref<!tpu.dma_semaphore, #tpu.memory_space<semaphore_mem>>
      %dma_start3A_32 = arith.constant 0 : i32
      %dma_start3A_33 = tpu.memref_slice %arg3[%mul3A_2, %dma_start3A_32] : memref<4096x50xi32, #tpu.memory_space<hbm>> -> memref<128x50xi32, #tpu.memory_space<hbm>>
      %dma_start3A_34 = arith.constant 0 : i32
      %dma_start3A_35 = tpu.memref_slice %arg3[%mul3A_2, %dma_start3A_34] : memref<4096x50xi32, #tpu.memory_space<hbm>> -> memref<128x50xi32, #tpu.memory_space<hbm>>
      tpu.enqueue_dma source(%dma_start3A_35 : memref<128x50xi32, #tpu.memory_space<hbm>>) target(%arg5 : memref<128x50xi32, #tpu.memory_space<vmem>>) target_semaphore(%run_scoped3A : memref<!tpu.dma_semaphore, #tpu.memory_space<semaphore_mem>>)
      %dma_wait3A_36 = arith.constant 0 : i32
      %dma_wait3A_37 = tpu.memref_slice %arg3[%mul3A_2, %dma_wait3A_36] : memref<4096x50xi32, #tpu.memory_space<hbm>> -> memref<128x50xi32, #tpu.memory_space<hbm>>
      %dma_wait3A_38 = arith.constant 0 : i32
      %dma_wait3A_39 = tpu.memref_slice %arg3[%mul3A_2, %dma_wait3A_38] : memref<4096x50xi32, #tpu.memory_space<hbm>> -> memref<128x50xi32, #tpu.memory_space<hbm>>
      tpu.wait_dma2 semaphore(%run_scoped3A : memref<!tpu.dma_semaphore, #tpu.memory_space<semaphore_mem>>) src(%dma_wait3A_39 : memref<128x50xi32, #tpu.memory_space<hbm>>) dst(%arg5 : memref<128x50xi32, #tpu.memory_space<vmem>>)
      tpu.yield
    }) : () -> ()
    %dma_start3A = arith.constant 0 : i32
    %dma_start3A_3 = arith.constant 0 : i32
    %dma_start3A_4 = tpu.memref_slice %arg5[%dma_start3A, %dma_start3A_3] : memref<128x50xi32, #tpu.memory_space<vmem>> -> memref<1x50xi32, #tpu.memory_space<vmem>>
    %dma_start3A_5 = tpu.memref_squeeze %dma_start3A_4 : memref<1x50xi32, #tpu.memory_space<vmem>> -> memref<50xi32, #tpu.memory_space<vmem>>
    %dma_start3A_6 = arith.constant 0 : i32
    %dma_start3A_7 = arith.constant 0 : i32
    %dma_start3A_8 = tpu.memref_slice %arg2[%dma_start3A_6, %dma_start3A_7] : memref<100000x304xf32, #tpu.memory_space<hbm>> -> memref<100000x304xf32, #tpu.memory_space<hbm>>
    tpu.enqueue_indirect_dma source(%dma_start3A_8 : memref<100000x304xf32, #tpu.memory_space<hbm>>) target(%arg6 : memref<50x304xf32, #tpu.memory_space<vmem>>) offsets(%dma_start3A_5 : memref<50xi32, #tpu.memory_space<vmem>>) semaphore(%arg9 : memref<!tpu.dma_semaphore, #tpu.memory_space<semaphore_mem>>)
    %dma_start3A_9 = arith.constant 1 : i32
    %dma_start3A_10 = arith.constant 0 : i32
    %dma_start3A_11 = tpu.memref_slice %arg5[%dma_start3A_9, %dma_start3A_10] : memref<128x50xi32, #tpu.memory_space<vmem>> -> memref<1x50xi32, #tpu.memory_space<vmem>>
    %dma_start3A_12 = tpu.memref_squeeze %dma_start3A_11 : memref<1x50xi32, #tpu.memory_space<vmem>> -> memref<50xi32, #tpu.memory_space<vmem>>
    %dma_start3A_13 = arith.constant 0 : i32
    %dma_start3A_14 = arith.constant 0 : i32
    %dma_start3A_15 = tpu.memref_slice %arg2[%dma_start3A_13, %dma_start3A_14] : memref<100000x304xf32, #tpu.memory_space<hbm>> -> memref<100000x304xf32, #tpu.memory_space<hbm>>
    tpu.enqueue_indirect_dma source(%dma_start3A_15 : memref<100000x304xf32, #tpu.memory_space<hbm>>) target(%arg7 : memref<50x304xf32, #tpu.memory_space<vmem>>) offsets(%dma_start3A_12 : memref<50xi32, #tpu.memory_space<vmem>>) semaphore(%arg10 : memref<!tpu.dma_semaphore, #tpu.memory_space<semaphore_mem>>)
    %scan3A = arith.constant 0 : i32
    %scan3A_16 = arith.constant 0 : i32
    %scan3A_17 = arith.constant 64 : i32
    %scan3A_18 = arith.addi %scan3A_16, %scan3A_17 : i32
    %scan3A_19 = arith.constant 1 : i32
    scf.for %scan3A_32 = %scan3A_16 to %scan3A_18 step %scan3A_19  : i32 {
      %mul3A_33 = arith.constant 2 : i32
      %mul3A_34 = arith.muli %mul3A_33, %scan3A_32 : i32
      %dma_wait3A_35 = arith.constant 0 : i32
      %dma_wait3A_36 = arith.constant 0 : i32
      %dma_wait3A_37 = tpu.memref_slice %arg2[%dma_wait3A_35, %dma_wait3A_36] : memref<100000x304xf32, #tpu.memory_space<hbm>> -> memref<50x304xf32, #tpu.memory_space<hbm>>
      %dma_wait3A_38 = arith.constant 0 : i32
      %dma_wait3A_39 = arith.constant 0 : i32
      %dma_wait3A_40 = tpu.memref_slice %arg2[%dma_wait3A_38, %dma_wait3A_39] : memref<100000x304xf32, #tpu.memory_space<hbm>> -> memref<50x304xf32, #tpu.memory_space<hbm>>
      tpu.wait_dma2 semaphore(%arg9 : memref<!tpu.dma_semaphore, #tpu.memory_space<semaphore_mem>>) src(%dma_wait3A_40 : memref<50x304xf32, #tpu.memory_space<hbm>>) dst(%arg6 : memref<50x304xf32, #tpu.memory_space<vmem>>)
      %broadcast_in_dim3A = arith.constant 0.000000e+00 : f32
      %broadcast_in_dim3A_41 = vector.broadcast %broadcast_in_dim3A : f32 to vector<16xf32>
      %broadcast_in_dim3A_42 = arith.constant 0.000000e+00 : f32
      %broadcast_in_dim3A_43 = vector.broadcast %broadcast_in_dim3A_42 : f32 to vector<16xf32>
      %broadcast_in_dim3A_44 = arith.constant 0.000000e+00 : f32
      %broadcast_in_dim3A_45 = vector.broadcast %broadcast_in_dim3A_44 : f32 to vector<16xf32>
      %broadcast_in_dim3A_46 = arith.constant 0.000000e+00 : f32
      %broadcast_in_dim3A_47 = vector.broadcast %broadcast_in_dim3A_46 : f32 to vector<16xf32>
      %broadcast_in_dim3A_48 = arith.constant 0.000000e+00 : f32
      %broadcast_in_dim3A_49 = vector.broadcast %broadcast_in_dim3A_48 : f32 to vector<16xf32>
      %broadcast_in_dim3A_50 = arith.constant 0.000000e+00 : f32
      %broadcast_in_dim3A_51 = vector.broadcast %broadcast_in_dim3A_50 : f32 to vector<16xf32>
      %broadcast_in_dim3A_52 = arith.constant 0.000000e+00 : f32
      %broadcast_in_dim3A_53 = vector.broadcast %broadcast_in_dim3A_52 : f32 to vector<16xf32>
      %broadcast_in_dim3A_54 = arith.constant 0.000000e+00 : f32
      %broadcast_in_dim3A_55 = vector.broadcast %broadcast_in_dim3A_54 : f32 to vector<16xf32>
      %broadcast_in_dim3A_56 = arith.constant 0.000000e+00 : f32
      %broadcast_in_dim3A_57 = vector.broadcast %broadcast_in_dim3A_56 : f32 to vector<16xf32>
      %broadcast_in_dim3A_58 = arith.constant 0.000000e+00 : f32
      %broadcast_in_dim3A_59 = vector.broadcast %broadcast_in_dim3A_58 : f32 to vector<16xf32>
      %broadcast_in_dim3A_60 = arith.constant 0.000000e+00 : f32
      %broadcast_in_dim3A_61 = vector.broadcast %broadcast_in_dim3A_60 : f32 to vector<16xf32>
      %broadcast_in_dim3A_62 = arith.constant 0.000000e+00 : f32
      %broadcast_in_dim3A_63 = vector.broadcast %broadcast_in_dim3A_62 : f32 to vector<16xf32>
      %broadcast_in_dim3A_64 = arith.constant 0.000000e+00 : f32
      %broadcast_in_dim3A_65 = vector.broadcast %broadcast_in_dim3A_64 : f32 to vector<16xf32>
      %broadcast_in_dim3A_66 = arith.constant 0.000000e+00 : f32
      %broadcast_in_dim3A_67 = vector.broadcast %broadcast_in_dim3A_66 : f32 to vector<16xf32>
      %broadcast_in_dim3A_68 = arith.constant 0.000000e+00 : f32
      %broadcast_in_dim3A_69 = vector.broadcast %broadcast_in_dim3A_68 : f32 to vector<16xf32>
      %broadcast_in_dim3A_70 = arith.constant 0.000000e+00 : f32
      %broadcast_in_dim3A_71 = vector.broadcast %broadcast_in_dim3A_70 : f32 to vector<16xf32>
      %broadcast_in_dim3A_72 = arith.constant 0.000000e+00 : f32
      %broadcast_in_dim3A_73 = vector.broadcast %broadcast_in_dim3A_72 : f32 to vector<16xf32>
      %broadcast_in_dim3A_74 = arith.constant 0.000000e+00 : f32
      %broadcast_in_dim3A_75 = vector.broadcast %broadcast_in_dim3A_74 : f32 to vector<16xf32>
      %broadcast_in_dim3A_76 = arith.constant 0.000000e+00 : f32
      %broadcast_in_dim3A_77 = vector.broadcast %broadcast_in_dim3A_76 : f32 to vector<16xf32>
      %scan3A_78 = arith.constant 0 : i32
      %scan3A_79 = arith.constant 50 : i32
      %scan3A_80 = arith.addi %scan3A_78, %scan3A_79 : i32
      %scan3A_81 = arith.constant 1 : i32
      %scan3A_82:19 = scf.for %scan3A_480 = %scan3A_78 to %scan3A_80 step %scan3A_81 iter_args(%scan3A_481 = %broadcast_in_dim3A_41, %scan3A_482 = %broadcast_in_dim3A_43, %scan3A_483 = %broadcast_in_dim3A_45, %scan3A_484 = %broadcast_in_dim3A_47, %scan3A_485 = %broadcast_in_dim3A_49, %scan3A_486 = %broadcast_in_dim3A_51, %scan3A_487 = %broadcast_in_dim3A_53, %scan3A_488 = %broadcast_in_dim3A_55, %scan3A_489 = %broadcast_in_dim3A_57, %scan3A_490 = %broadcast_in_dim3A_59, %scan3A_491 = %broadcast_in_dim3A_61, %scan3A_492 = %broadcast_in_dim3A_63, %scan3A_493 = %broadcast_in_dim3A_65, %scan3A_494 = %broadcast_in_dim3A_67, %scan3A_495 = %broadcast_in_dim3A_69, %scan3A_496 = %broadcast_in_dim3A_71, %scan3A_497 = %broadcast_in_dim3A_73, %scan3A_498 = %broadcast_in_dim3A_75, %scan3A_499 = %broadcast_in_dim3A_77) -> (vector<16xf32>, vector<16xf32>, vector<16xf32>, vector<16xf32>, vector<16xf32>, vector<16xf32>, vector<16xf32>, vector<16xf32>, vector<16xf32>, vector<16xf32>, vector<16xf32>, vector<16xf32>, vector<16xf32>, vector<16xf32>, vector<16xf32>, vector<16xf32>, vector<16xf32>, vector<16xf32>, vector<16xf32>)  : i32 {
        %get3A = arith.index_cast %scan3A_480 : i32 to index
        %get3A_500 = arith.constant 0 : index
        %get3A_501 = tpu.vector_load %arg6[%get3A, %get3A_500] {strides = array<i32>} : memref<50x304xf32, #tpu.memory_space<vmem>>, vector<1x16xf32>,
        %get3A_502 = vector.shape_cast %get3A_501 : vector<1x16xf32> to vector<16xf32>
        %add3A_503 = arith.addf %scan3A_481, %get3A_502 : vector<16xf32>
        %get3A_504 = arith.index_cast %scan3A_480 : i32 to index
        %get3A_505 = arith.constant 16 : index
        %get3A_506 = tpu.vector_load %arg6[%get3A_504, %get3A_505] {strides = array<i32>} : memref<50x304xf32, #tpu.memory_space<vmem>>, vector<1x16xf32>,
        %get3A_507 = vector.shape_cast %get3A_506 : vector<1x16xf32> to vector<16xf32>
        %add3A_508 = arith.addf %scan3A_482, %get3A_507 : vector<16xf32>
        %get3A_509 = arith.index_cast %scan3A_480 : i32 to index
        %get3A_510 = arith.constant 32 : index
        %get3A_511 = tpu.vector_load %arg6[%get3A_509, %get3A_510] {strides = array<i32>} : memref<50x304xf32, #tpu.memory_space<vmem>>, vector<1x16xf32>,
        %get3A_512 = vector.shape_cast %get3A_511 : vector<1x16xf32> to vector<16xf32>
        %add3A_513 = arith.addf %scan3A_483, %get3A_512 : vector<16xf32>
        %get3A_514 = arith.index_cast %scan3A_480 : i32 to index
        %get3A_515 = arith.constant 48 : index
        %get3A_516 = tpu.vector_load %arg6[%get3A_514, %get3A_515] {strides = array<i32>} : memref<50x304xf32, #tpu.memory_space<vmem>>, vector<1x16xf32>,
        %get3A_517 = vector.shape_cast %get3A_516 : vector<1x16xf32> to vector<16xf32>
        %add3A_518 = arith.addf %scan3A_484, %get3A_517 : vector<16xf32>
        %get3A_519 = arith.index_cast %scan3A_480 : i32 to index
        %get3A_520 = arith.constant 64 : index
        %get3A_521 = tpu.vector_load %arg6[%get3A_519, %get3A_520] {strides = array<i32>} : memref<50x304xf32, #tpu.memory_space<vmem>>, vector<1x16xf32>,
        %get3A_522 = vector.shape_cast %get3A_521 : vector<1x16xf32> to vector<16xf32>
        %add3A_523 = arith.addf %scan3A_485, %get3A_522 : vector<16xf32>
        %get3A_524 = arith.index_cast %scan3A_480 : i32 to index
        %get3A_525 = arith.constant 80 : index
        %get3A_526 = tpu.vector_load %arg6[%get3A_524, %get3A_525] {strides = array<i32>} : memref<50x304xf32, #tpu.memory_space<vmem>>, vector<1x16xf32>,
        %get3A_527 = vector.shape_cast %get3A_526 : vector<1x16xf32> to vector<16xf32>
        %add3A_528 = arith.addf %scan3A_486, %get3A_527 : vector<16xf32>
        %get3A_529 = arith.index_cast %scan3A_480 : i32 to index
        %get3A_530 = arith.constant 96 : index
        %get3A_531 = tpu.vector_load %arg6[%get3A_529, %get3A_530] {strides = array<i32>} : memref<50x304xf32, #tpu.memory_space<vmem>>, vector<1x16xf32>,
        %get3A_532 = vector.shape_cast %get3A_531 : vector<1x16xf32> to vector<16xf32>
        %add3A_533 = arith.addf %scan3A_487, %get3A_532 : vector<16xf32>
        %get3A_534 = arith.index_cast %scan3A_480 : i32 to index
        %get3A_535 = arith.constant 112 : index
        %get3A_536 = tpu.vector_load %arg6[%get3A_534, %get3A_535] {strides = array<i32>} : memref<50x304xf32, #tpu.memory_space<vmem>>, vector<1x16xf32>,
        %get3A_537 = vector.shape_cast %get3A_536 : vector<1x16xf32> to vector<16xf32>
        %add3A_538 = arith.addf %scan3A_488, %get3A_537 : vector<16xf32>
        %get3A_539 = arith.index_cast %scan3A_480 : i32 to index
        %get3A_540 = arith.constant 128 : index
        %get3A_541 = tpu.vector_load %arg6[%get3A_539, %get3A_540] {strides = array<i32>} : memref<50x304xf32, #tpu.memory_space<vmem>>, vector<1x16xf32>,
        %get3A_542 = vector.shape_cast %get3A_541 : vector<1x16xf32> to vector<16xf32>
        %add3A_543 = arith.addf %scan3A_489, %get3A_542 : vector<16xf32>
        %get3A_544 = arith.index_cast %scan3A_480 : i32 to index
        %get3A_545 = arith.constant 144 : index
        %get3A_546 = tpu.vector_load %arg6[%get3A_544, %get3A_545] {strides = array<i32>} : memref<50x304xf32, #tpu.memory_space<vmem>>, vector<1x16xf32>,
        %get3A_547 = vector.shape_cast %get3A_546 : vector<1x16xf32> to vector<16xf32>
        %add3A_548 = arith.addf %scan3A_490, %get3A_547 : vector<16xf32>
        %get3A_549 = arith.index_cast %scan3A_480 : i32 to index
        %get3A_550 = arith.constant 160 : index
        %get3A_551 = tpu.vector_load %arg6[%get3A_549, %get3A_550] {strides = array<i32>} : memref<50x304xf32, #tpu.memory_space<vmem>>, vector<1x16xf32>,
        %get3A_552 = vector.shape_cast %get3A_551 : vector<1x16xf32> to vector<16xf32>
        %add3A_553 = arith.addf %scan3A_491, %get3A_552 : vector<16xf32>
        %get3A_554 = arith.index_cast %scan3A_480 : i32 to index
        %get3A_555 = arith.constant 176 : index
        %get3A_556 = tpu.vector_load %arg6[%get3A_554, %get3A_555] {strides = array<i32>} : memref<50x304xf32, #tpu.memory_space<vmem>>, vector<1x16xf32>,
        %get3A_557 = vector.shape_cast %get3A_556 : vector<1x16xf32> to vector<16xf32>
        %add3A_558 = arith.addf %scan3A_492, %get3A_557 : vector<16xf32>
        %get3A_559 = arith.index_cast %scan3A_480 : i32 to index
        %get3A_560 = arith.constant 192 : index
        %get3A_561 = tpu.vector_load %arg6[%get3A_559, %get3A_560] {strides = array<i32>} : memref<50x304xf32, #tpu.memory_space<vmem>>, vector<1x16xf32>,
        %get3A_562 = vector.shape_cast %get3A_561 : vector<1x16xf32> to vector<16xf32>
        %add3A_563 = arith.addf %scan3A_493, %get3A_562 : vector<16xf32>
        %get3A_564 = arith.index_cast %scan3A_480 : i32 to index
        %get3A_565 = arith.constant 208 : index
        %get3A_566 = tpu.vector_load %arg6[%get3A_564, %get3A_565] {strides = array<i32>} : memref<50x304xf32, #tpu.memory_space<vmem>>, vector<1x16xf32>,
        %get3A_567 = vector.shape_cast %get3A_566 : vector<1x16xf32> to vector<16xf32>
        %add3A_568 = arith.addf %scan3A_494, %get3A_567 : vector<16xf32>
        %get3A_569 = arith.index_cast %scan3A_480 : i32 to index
        %get3A_570 = arith.constant 224 : index
        %get3A_571 = tpu.vector_load %arg6[%get3A_569, %get3A_570] {strides = array<i32>} : memref<50x304xf32, #tpu.memory_space<vmem>>, vector<1x16xf32>,
        %get3A_572 = vector.shape_cast %get3A_571 : vector<1x16xf32> to vector<16xf32>
        %add3A_573 = arith.addf %scan3A_495, %get3A_572 : vector<16xf32>
        %get3A_574 = arith.index_cast %scan3A_480 : i32 to index
        %get3A_575 = arith.constant 240 : index
        %get3A_576 = tpu.vector_load %arg6[%get3A_574, %get3A_575] {strides = array<i32>} : memref<50x304xf32, #tpu.memory_space<vmem>>, vector<1x16xf32>,
        %get3A_577 = vector.shape_cast %get3A_576 : vector<1x16xf32> to vector<16xf32>
        %add3A_578 = arith.addf %scan3A_496, %get3A_577 : vector<16xf32>
        %get3A_579 = arith.index_cast %scan3A_480 : i32 to index
        %get3A_580 = arith.constant 256 : index
        %get3A_581 = tpu.vector_load %arg6[%get3A_579, %get3A_580] {strides = array<i32>} : memref<50x304xf32, #tpu.memory_space<vmem>>, vector<1x16xf32>,
        %get3A_582 = vector.shape_cast %get3A_581 : vector<1x16xf32> to vector<16xf32>
        %add3A_583 = arith.addf %scan3A_497, %get3A_582 : vector<16xf32>
        %get3A_584 = arith.index_cast %scan3A_480 : i32 to index
        %get3A_585 = arith.constant 272 : index
        %get3A_586 = tpu.vector_load %arg6[%get3A_584, %get3A_585] {strides = array<i32>} : memref<50x304xf32, #tpu.memory_space<vmem>>, vector<1x16xf32>,
        %get3A_587 = vector.shape_cast %get3A_586 : vector<1x16xf32> to vector<16xf32>
        %add3A_588 = arith.addf %scan3A_498, %get3A_587 : vector<16xf32>
        %get3A_589 = arith.index_cast %scan3A_480 : i32 to index
        %get3A_590 = arith.constant 288 : index
        %get3A_591 = tpu.vector_load %arg6[%get3A_589, %get3A_590] {strides = array<i32>} : memref<50x304xf32, #tpu.memory_space<vmem>>, vector<1x16xf32>,
        %get3A_592 = vector.shape_cast %get3A_591 : vector<1x16xf32> to vector<16xf32>
        %add3A_593 = arith.addf %scan3A_499, %get3A_592 : vector<16xf32>
        scf.yield %add3A_503, %add3A_508, %add3A_513, %add3A_518, %add3A_523, %add3A_528, %add3A_533, %add3A_538, %add3A_543, %add3A_548, %add3A_553, %add3A_558, %add3A_563, %add3A_568, %add3A_573, %add3A_578, %add3A_583, %add3A_588, %add3A_593 : vector<16xf32>, vector<16xf32>, vector<16xf32>, vector<16xf32>, vector<16xf32>, vector<16xf32>, vector<16xf32>, vector<16xf32>, vector<16xf32>, vector<16xf32>, vector<16xf32>, vector<16xf32>, vector<16xf32>, vector<16xf32>, vector<16xf32>, vector<16xf32>, vector<16xf32>, vector<16xf32>, vector<16xf32>
      }
      %scan3A_83 = arith.constant 50 : i32
      %mul3A_84 = arith.constant 2.000000e-02 : f32
      %mul3A_85 = vector.broadcast %mul3A_84 : f32 to vector<16xf32>
      %mul3A_86 = arith.mulf %scan3A_82#0, %mul3A_85 : vector<16xf32>
      %swap3A = arith.index_cast %mul3A_34 : i32 to index
      %swap3A_87 = arith.constant 0 : index
      %swap3A_88 = tpu.vector_load %arg8[%swap3A, %swap3A_87] {strides = array<i32>} : memref<128x304xf32, #tpu.memory_space<vmem>>, vector<1x16xf32>,
      %swap3A_89 = vector.shape_cast %swap3A_88 : vector<1x16xf32> to vector<16xf32>
      %swap3A_90 = vector.shape_cast %mul3A_86 : vector<16xf32> to vector<1x16xf32>
      tpu.vector_store %arg8[%swap3A, %swap3A_87], %swap3A_90 {strides = array<i32>} : memref<128x304xf32, #tpu.memory_space<vmem>>, vector<1x16xf32>,
      %mul3A_91 = arith.constant 2.000000e-02 : f32
      %mul3A_92 = vector.broadcast %mul3A_91 : f32 to vector<16xf32>
      %mul3A_93 = arith.mulf %scan3A_82#1, %mul3A_92 : vector<16xf32>
      %swap3A_94 = arith.index_cast %mul3A_34 : i32 to index
      %swap3A_95 = arith.constant 16 : index
      %swap3A_96 = tpu.vector_load %arg8[%swap3A_94, %swap3A_95] {strides = array<i32>} : memref<128x304xf32, #tpu.memory_space<vmem>>, vector<1x16xf32>,
      %swap3A_97 = vector.shape_cast %swap3A_96 : vector<1x16xf32> to vector<16xf32>
      %swap3A_98 = vector.shape_cast %mul3A_93 : vector<16xf32> to vector<1x16xf32>
      tpu.vector_store %arg8[%swap3A_94, %swap3A_95], %swap3A_98 {strides = array<i32>} : memref<128x304xf32, #tpu.memory_space<vmem>>, vector<1x16xf32>,
      %mul3A_99 = arith.constant 2.000000e-02 : f32
      %mul3A_100 = vector.broadcast %mul3A_99 : f32 to vector<16xf32>
      %mul3A_101 = arith.mulf %scan3A_82#2, %mul3A_100 : vector<16xf32>
      %swap3A_102 = arith.index_cast %mul3A_34 : i32 to index
      %swap3A_103 = arith.constant 32 : index
      %swap3A_104 = tpu.vector_load %arg8[%swap3A_102, %swap3A_103] {strides = array<i32>} : memref<128x304xf32, #tpu.memory_space<vmem>>, vector<1x16xf32>,
      %swap3A_105 = vector.shape_cast %swap3A_104 : vector<1x16xf32> to vector<16xf32>
      %swap3A_106 = vector.shape_cast %mul3A_101 : vector<16xf32> to vector<1x16xf32>
      tpu.vector_store %arg8[%swap3A_102, %swap3A_103], %swap3A_106 {strides = array<i32>} : memref<128x304xf32, #tpu.memory_space<vmem>>, vector<1x16xf32>,
      %mul3A_107 = arith.constant 2.000000e-02 : f32
      %mul3A_108 = vector.broadcast %mul3A_107 : f32 to vector<16xf32>
      %mul3A_109 = arith.mulf %scan3A_82#3, %mul3A_108 : vector<16xf32>
      %swap3A_110 = arith.index_cast %mul3A_34 : i32 to index
      %swap3A_111 = arith.constant 48 : index
      %swap3A_112 = tpu.vector_load %arg8[%swap3A_110, %swap3A_111] {strides = array<i32>} : memref<128x304xf32, #tpu.memory_space<vmem>>, vector<1x16xf32>,
      %swap3A_113 = vector.shape_cast %swap3A_112 : vector<1x16xf32> to vector<16xf32>
      %swap3A_114 = vector.shape_cast %mul3A_109 : vector<16xf32> to vector<1x16xf32>
      tpu.vector_store %arg8[%swap3A_110, %swap3A_111], %swap3A_114 {strides = array<i32>} : memref<128x304xf32, #tpu.memory_space<vmem>>, vector<1x16xf32>,
      %mul3A_115 = arith.constant 2.000000e-02 : f32
      %mul3A_116 = vector.broadcast %mul3A_115 : f32 to vector<16xf32>
      %mul3A_117 = arith.mulf %scan3A_82#4, %mul3A_116 : vector<16xf32>
      %swap3A_118 = arith.index_cast %mul3A_34 : i32 to index
      %swap3A_119 = arith.constant 64 : index
      %swap3A_120 = tpu.vector_load %arg8[%swap3A_118, %swap3A_119] {strides = array<i32>} : memref<128x304xf32, #tpu.memory_space<vmem>>, vector<1x16xf32>,
      %swap3A_121 = vector.shape_cast %swap3A_120 : vector<1x16xf32> to vector<16xf32>
      %swap3A_122 = vector.shape_cast %mul3A_117 : vector<16xf32> to vector<1x16xf32>
      tpu.vector_store %arg8[%swap3A_118, %swap3A_119], %swap3A_122 {strides = array<i32>} : memref<128x304xf32, #tpu.memory_space<vmem>>, vector<1x16xf32>,
      %mul3A_123 = arith.constant 2.000000e-02 : f32
      %mul3A_124 = vector.broadcast %mul3A_123 : f32 to vector<16xf32>
      %mul3A_125 = arith.mulf %scan3A_82#5, %mul3A_124 : vector<16xf32>
      %swap3A_126 = arith.index_cast %mul3A_34 : i32 to index
      %swap3A_127 = arith.constant 80 : index
      %swap3A_128 = tpu.vector_load %arg8[%swap3A_126, %swap3A_127] {strides = array<i32>} : memref<128x304xf32, #tpu.memory_space<vmem>>, vector<1x16xf32>,
      %swap3A_129 = vector.shape_cast %swap3A_128 : vector<1x16xf32> to vector<16xf32>
      %swap3A_130 = vector.shape_cast %mul3A_125 : vector<16xf32> to vector<1x16xf32>
      tpu.vector_store %arg8[%swap3A_126, %swap3A_127], %swap3A_130 {strides = array<i32>} : memref<128x304xf32, #tpu.memory_space<vmem>>, vector<1x16xf32>,
      %mul3A_131 = arith.constant 2.000000e-02 : f32
      %mul3A_132 = vector.broadcast %mul3A_131 : f32 to vector<16xf32>
      %mul3A_133 = arith.mulf %scan3A_82#6, %mul3A_132 : vector<16xf32>
      %swap3A_134 = arith.index_cast %mul3A_34 : i32 to index
      %swap3A_135 = arith.constant 96 : index
      %swap3A_136 = tpu.vector_load %arg8[%swap3A_134, %swap3A_135] {strides = array<i32>} : memref<128x304xf32, #tpu.memory_space<vmem>>, vector<1x16xf32>,
      %swap3A_137 = vector.shape_cast %swap3A_136 : vector<1x16xf32> to vector<16xf32>
      %swap3A_138 = vector.shape_cast %mul3A_133 : vector<16xf32> to vector<1x16xf32>
      tpu.vector_store %arg8[%swap3A_134, %swap3A_135], %swap3A_138 {strides = array<i32>} : memref<128x304xf32, #tpu.memory_space<vmem>>, vector<1x16xf32>,
      %mul3A_139 = arith.constant 2.000000e-02 : f32
      %mul3A_140 = vector.broadcast %mul3A_139 : f32 to vector<16xf32>
      %mul3A_141 = arith.mulf %scan3A_82#7, %mul3A_140 : vector<16xf32>
      %swap3A_142 = arith.index_cast %mul3A_34 : i32 to index
      %swap3A_143 = arith.constant 112 : index
      %swap3A_144 = tpu.vector_load %arg8[%swap3A_142, %swap3A_143] {strides = array<i32>} : memref<128x304xf32, #tpu.memory_space<vmem>>, vector<1x16xf32>,
      %swap3A_145 = vector.shape_cast %swap3A_144 : vector<1x16xf32> to vector<16xf32>
      %swap3A_146 = vector.shape_cast %mul3A_141 : vector<16xf32> to vector<1x16xf32>
      tpu.vector_store %arg8[%swap3A_142, %swap3A_143], %swap3A_146 {strides = array<i32>} : memref<128x304xf32, #tpu.memory_space<vmem>>, vector<1x16xf32>,
      %mul3A_147 = arith.constant 2.000000e-02 : f32
      %mul3A_148 = vector.broadcast %mul3A_147 : f32 to vector<16xf32>
      %mul3A_149 = arith.mulf %scan3A_82#8, %mul3A_148 : vector<16xf32>
      %swap3A_150 = arith.index_cast %mul3A_34 : i32 to index
      %swap3A_151 = arith.constant 128 : index
      %swap3A_152 = tpu.vector_load %arg8[%swap3A_150, %swap3A_151] {strides = array<i32>} : memref<128x304xf32, #tpu.memory_space<vmem>>, vector<1x16xf32>,
      %swap3A_153 = vector.shape_cast %swap3A_152 : vector<1x16xf32> to vector<16xf32>
      %swap3A_154 = vector.shape_cast %mul3A_149 : vector<16xf32> to vector<1x16xf32>
      tpu.vector_store %arg8[%swap3A_150, %swap3A_151], %swap3A_154 {strides = array<i32>} : memref<128x304xf32, #tpu.memory_space<vmem>>, vector<1x16xf32>,
      %mul3A_155 = arith.constant 2.000000e-02 : f32
      %mul3A_156 = vector.broadcast %mul3A_155 : f32 to vector<16xf32>
      %mul3A_157 = arith.mulf %scan3A_82#9, %mul3A_156 : vector<16xf32>
      %swap3A_158 = arith.index_cast %mul3A_34 : i32 to index
      %swap3A_159 = arith.constant 144 : index
      %swap3A_160 = tpu.vector_load %arg8[%swap3A_158, %swap3A_159] {strides = array<i32>} : memref<128x304xf32, #tpu.memory_space<vmem>>, vector<1x16xf32>,
      %swap3A_161 = vector.shape_cast %swap3A_160 : vector<1x16xf32> to vector<16xf32>
      %swap3A_162 = vector.shape_cast %mul3A_157 : vector<16xf32> to vector<1x16xf32>
      tpu.vector_store %arg8[%swap3A_158, %swap3A_159], %swap3A_162 {strides = array<i32>} : memref<128x304xf32, #tpu.memory_space<vmem>>, vector<1x16xf32>,
      %mul3A_163 = arith.constant 2.000000e-02 : f32
      %mul3A_164 = vector.broadcast %mul3A_163 : f32 to vector<16xf32>
      %mul3A_165 = arith.mulf %scan3A_82#10, %mul3A_164 : vector<16xf32>
      %swap3A_166 = arith.index_cast %mul3A_34 : i32 to index
      %swap3A_167 = arith.constant 160 : index
      %swap3A_168 = tpu.vector_load %arg8[%swap3A_166, %swap3A_167] {strides = array<i32>} : memref<128x304xf32, #tpu.memory_space<vmem>>, vector<1x16xf32>,
      %swap3A_169 = vector.shape_cast %swap3A_168 : vector<1x16xf32> to vector<16xf32>
      %swap3A_170 = vector.shape_cast %mul3A_165 : vector<16xf32> to vector<1x16xf32>
      tpu.vector_store %arg8[%swap3A_166, %swap3A_167], %swap3A_170 {strides = array<i32>} : memref<128x304xf32, #tpu.memory_space<vmem>>, vector<1x16xf32>,
      %mul3A_171 = arith.constant 2.000000e-02 : f32
      %mul3A_172 = vector.broadcast %mul3A_171 : f32 to vector<16xf32>
      %mul3A_173 = arith.mulf %scan3A_82#11, %mul3A_172 : vector<16xf32>
      %swap3A_174 = arith.index_cast %mul3A_34 : i32 to index
      %swap3A_175 = arith.constant 176 : index
      %swap3A_176 = tpu.vector_load %arg8[%swap3A_174, %swap3A_175] {strides = array<i32>} : memref<128x304xf32, #tpu.memory_space<vmem>>, vector<1x16xf32>,
      %swap3A_177 = vector.shape_cast %swap3A_176 : vector<1x16xf32> to vector<16xf32>
      %swap3A_178 = vector.shape_cast %mul3A_173 : vector<16xf32> to vector<1x16xf32>
      tpu.vector_store %arg8[%swap3A_174, %swap3A_175], %swap3A_178 {strides = array<i32>} : memref<128x304xf32, #tpu.memory_space<vmem>>, vector<1x16xf32>,
      %mul3A_179 = arith.constant 2.000000e-02 : f32
      %mul3A_180 = vector.broadcast %mul3A_179 : f32 to vector<16xf32>
      %mul3A_181 = arith.mulf %scan3A_82#12, %mul3A_180 : vector<16xf32>
      %swap3A_182 = arith.index_cast %mul3A_34 : i32 to index
      %swap3A_183 = arith.constant 192 : index
      %swap3A_184 = tpu.vector_load %arg8[%swap3A_182, %swap3A_183] {strides = array<i32>} : memref<128x304xf32, #tpu.memory_space<vmem>>, vector<1x16xf32>,
      %swap3A_185 = vector.shape_cast %swap3A_184 : vector<1x16xf32> to vector<16xf32>
      %swap3A_186 = vector.shape_cast %mul3A_181 : vector<16xf32> to vector<1x16xf32>
      tpu.vector_store %arg8[%swap3A_182, %swap3A_183], %swap3A_186 {strides = array<i32>} : memref<128x304xf32, #tpu.memory_space<vmem>>, vector<1x16xf32>,
      %mul3A_187 = arith.constant 2.000000e-02 : f32
      %mul3A_188 = vector.broadcast %mul3A_187 : f32 to vector<16xf32>
      %mul3A_189 = arith.mulf %scan3A_82#13, %mul3A_188 : vector<16xf32>
      %swap3A_190 = arith.index_cast %mul3A_34 : i32 to index
      %swap3A_191 = arith.constant 208 : index
      %swap3A_192 = tpu.vector_load %arg8[%swap3A_190, %swap3A_191] {strides = array<i32>} : memref<128x304xf32, #tpu.memory_space<vmem>>, vector<1x16xf32>,
      %swap3A_193 = vector.shape_cast %swap3A_192 : vector<1x16xf32> to vector<16xf32>
      %swap3A_194 = vector.shape_cast %mul3A_189 : vector<16xf32> to vector<1x16xf32>
      tpu.vector_store %arg8[%swap3A_190, %swap3A_191], %swap3A_194 {strides = array<i32>} : memref<128x304xf32, #tpu.memory_space<vmem>>, vector<1x16xf32>,
      %mul3A_195 = arith.constant 2.000000e-02 : f32
      %mul3A_196 = vector.broadcast %mul3A_195 : f32 to vector<16xf32>
      %mul3A_197 = arith.mulf %scan3A_82#14, %mul3A_196 : vector<16xf32>
      %swap3A_198 = arith.index_cast %mul3A_34 : i32 to index
      %swap3A_199 = arith.constant 224 : index
      %swap3A_200 = tpu.vector_load %arg8[%swap3A_198, %swap3A_199] {strides = array<i32>} : memref<128x304xf32, #tpu.memory_space<vmem>>, vector<1x16xf32>,
      %swap3A_201 = vector.shape_cast %swap3A_200 : vector<1x16xf32> to vector<16xf32>
      %swap3A_202 = vector.shape_cast %mul3A_197 : vector<16xf32> to vector<1x16xf32>
      tpu.vector_store %arg8[%swap3A_198, %swap3A_199], %swap3A_202 {strides = array<i32>} : memref<128x304xf32, #tpu.memory_space<vmem>>, vector<1x16xf32>,
      %mul3A_203 = arith.constant 2.000000e-02 : f32
      %mul3A_204 = vector.broadcast %mul3A_203 : f32 to vector<16xf32>
      %mul3A_205 = arith.mulf %scan3A_82#15, %mul3A_204 : vector<16xf32>
      %swap3A_206 = arith.index_cast %mul3A_34 : i32 to index
      %swap3A_207 = arith.constant 240 : index
      %swap3A_208 = tpu.vector_load %arg8[%swap3A_206, %swap3A_207] {strides = array<i32>} : memref<128x304xf32, #tpu.memory_space<vmem>>, vector<1x16xf32>,
      %swap3A_209 = vector.shape_cast %swap3A_208 : vector<1x16xf32> to vector<16xf32>
      %swap3A_210 = vector.shape_cast %mul3A_205 : vector<16xf32> to vector<1x16xf32>
      tpu.vector_store %arg8[%swap3A_206, %swap3A_207], %swap3A_210 {strides = array<i32>} : memref<128x304xf32, #tpu.memory_space<vmem>>, vector<1x16xf32>,
      %mul3A_211 = arith.constant 2.000000e-02 : f32
      %mul3A_212 = vector.broadcast %mul3A_211 : f32 to vector<16xf32>
      %mul3A_213 = arith.mulf %scan3A_82#16, %mul3A_212 : vector<16xf32>
      %swap3A_214 = arith.index_cast %mul3A_34 : i32 to index
      %swap3A_215 = arith.constant 256 : index
      %swap3A_216 = tpu.vector_load %arg8[%swap3A_214, %swap3A_215] {strides = array<i32>} : memref<128x304xf32, #tpu.memory_space<vmem>>, vector<1x16xf32>,
      %swap3A_217 = vector.shape_cast %swap3A_216 : vector<1x16xf32> to vector<16xf32>
      %swap3A_218 = vector.shape_cast %mul3A_213 : vector<16xf32> to vector<1x16xf32>
      tpu.vector_store %arg8[%swap3A_214, %swap3A_215], %swap3A_218 {strides = array<i32>} : memref<128x304xf32, #tpu.memory_space<vmem>>, vector<1x16xf32>,
      %mul3A_219 = arith.constant 2.000000e-02 : f32
      %mul3A_220 = vector.broadcast %mul3A_219 : f32 to vector<16xf32>
      %mul3A_221 = arith.mulf %scan3A_82#17, %mul3A_220 : vector<16xf32>
      %swap3A_222 = arith.index_cast %mul3A_34 : i32 to index
      %swap3A_223 = arith.constant 272 : index
      %swap3A_224 = tpu.vector_load %arg8[%swap3A_222, %swap3A_223] {strides = array<i32>} : memref<128x304xf32, #tpu.memory_space<vmem>>, vector<1x16xf32>,
      %swap3A_225 = vector.shape_cast %swap3A_224 : vector<1x16xf32> to vector<16xf32>
      %swap3A_226 = vector.shape_cast %mul3A_221 : vector<16xf32> to vector<1x16xf32>
      tpu.vector_store %arg8[%swap3A_222, %swap3A_223], %swap3A_226 {strides = array<i32>} : memref<128x304xf32, #tpu.memory_space<vmem>>, vector<1x16xf32>,
      %mul3A_227 = arith.constant 2.000000e-02 : f32
      %mul3A_228 = vector.broadcast %mul3A_227 : f32 to vector<16xf32>
      %mul3A_229 = arith.mulf %scan3A_82#18, %mul3A_228 : vector<16xf32>
      %swap3A_230 = arith.index_cast %mul3A_34 : i32 to index
      %swap3A_231 = arith.constant 288 : index
      %swap3A_232 = tpu.vector_load %arg8[%swap3A_230, %swap3A_231] {strides = array<i32>} : memref<128x304xf32, #tpu.memory_space<vmem>>, vector<1x16xf32>,
      %swap3A_233 = vector.shape_cast %swap3A_232 : vector<1x16xf32> to vector<16xf32>
      %swap3A_234 = vector.shape_cast %mul3A_229 : vector<16xf32> to vector<1x16xf32>
      tpu.vector_store %arg8[%swap3A_230, %swap3A_231], %swap3A_234 {strides = array<i32>} : memref<128x304xf32, #tpu.memory_space<vmem>>, vector<1x16xf32>,
      %add3A_235 = arith.constant 2 : i32
      %add3A_236 = arith.addi %mul3A_34, %add3A_235 : i32
      %jit3A = arith.constant 128 : i32
      %eq3A = arith.constant 0 : i32
      %eq3A_237 = arith.cmpi eq, %jit3A, %eq3A : i32
      %jit3A_238 = arith.constant 1 : i32
      %select_n3A = arith.select %eq3A_237, %jit3A_238, %jit3A : i32
      %rem3A = arith.remsi %add3A_236, %select_n3A : i32
      %ne3A = arith.constant 0 : i32
      %ne3A_239 = arith.cmpi ne, %rem3A, %ne3A : i32
      %lt3A = arith.constant 0 : i32
      %lt3A_240 = arith.cmpi slt, %rem3A, %lt3A : i32
      %lt3A_241 = arith.constant 0 : i32
      %lt3A_242 = arith.cmpi slt, %select_n3A, %lt3A_241 : i32
      %ne3A_243 = arith.xori %lt3A_240, %lt3A_242 : i1
      %and3A = arith.andi %ne3A_243, %ne3A_239 : i1
      %add3A_244 = arith.addi %rem3A, %select_n3A : i32
      %select_n3A_245 = arith.select %and3A, %add3A_244, %rem3A : i32
      %dma_start3A_246 = arith.constant 0 : i32
      %dma_start3A_247 = tpu.memref_slice %arg5[%select_n3A_245, %dma_start3A_246] : memref<128x50xi32, #tpu.memory_space<vmem>> -> memref<1x50xi32, #tpu.memory_space<vmem>>
      %dma_start3A_248 = tpu.memref_squeeze %dma_start3A_247 : memref<1x50xi32, #tpu.memory_space<vmem>> -> memref<50xi32, #tpu.memory_space<vmem>>
      %dma_start3A_249 = arith.constant 0 : i32
      %dma_start3A_250 = arith.constant 0 : i32
      %dma_start3A_251 = tpu.memref_slice %arg2[%dma_start3A_249, %dma_start3A_250] : memref<100000x304xf32, #tpu.memory_space<hbm>> -> memref<100000x304xf32, #tpu.memory_space<hbm>>
      tpu.enqueue_indirect_dma source(%dma_start3A_251 : memref<100000x304xf32, #tpu.memory_space<hbm>>) target(%arg6 : memref<50x304xf32, #tpu.memory_space<vmem>>) offsets(%dma_start3A_248 : memref<50xi32, #tpu.memory_space<vmem>>) semaphore(%arg9 : memref<!tpu.dma_semaphore, #tpu.memory_space<semaphore_mem>>)
      %dma_wait3A_252 = arith.constant 0 : i32
      %dma_wait3A_253 = arith.constant 0 : i32
      %dma_wait3A_254 = tpu.memref_slice %arg2[%dma_wait3A_252, %dma_wait3A_253] : memref<100000x304xf32, #tpu.memory_space<hbm>> -> memref<50x304xf32, #tpu.memory_space<hbm>>
      %dma_wait3A_255 = arith.constant 0 : i32
      %dma_wait3A_256 = arith.constant 0 : i32
      %dma_wait3A_257 = tpu.memref_slice %arg2[%dma_wait3A_255, %dma_wait3A_256] : memref<100000x304xf32, #tpu.memory_space<hbm>> -> memref<50x304xf32, #tpu.memory_space<hbm>>
      tpu.wait_dma2 semaphore(%arg10 : memref<!tpu.dma_semaphore, #tpu.memory_space<semaphore_mem>>) src(%dma_wait3A_257 : memref<50x304xf32, #tpu.memory_space<hbm>>) dst(%arg7 : memref<50x304xf32, #tpu.memory_space<vmem>>)
      %add3A_258 = arith.constant 1 : i32
      %add3A_259 = arith.addi %mul3A_34, %add3A_258 : i32
      %broadcast_in_dim3A_260 = arith.constant 0.000000e+00 : f32
      %broadcast_in_dim3A_261 = vector.broadcast %broadcast_in_dim3A_260 : f32 to vector<16xf32>
      %broadcast_in_dim3A_262 = arith.constant 0.000000e+00 : f32
      %broadcast_in_dim3A_263 = vector.broadcast %broadcast_in_dim3A_262 : f32 to vector<16xf32>
      %broadcast_in_dim3A_264 = arith.constant 0.000000e+00 : f32
      %broadcast_in_dim3A_265 = vector.broadcast %broadcast_in_dim3A_264 : f32 to vector<16xf32>
      %broadcast_in_dim3A_266 = arith.constant 0.000000e+00 : f32
      %broadcast_in_dim3A_267 = vector.broadcast %broadcast_in_dim3A_266 : f32 to vector<16xf32>
      %broadcast_in_dim3A_268 = arith.constant 0.000000e+00 : f32
      %broadcast_in_dim3A_269 = vector.broadcast %broadcast_in_dim3A_268 : f32 to vector<16xf32>
      %broadcast_in_dim3A_270 = arith.constant 0.000000e+00 : f32
      %broadcast_in_dim3A_271 = vector.broadcast %broadcast_in_dim3A_270 : f32 to vector<16xf32>
      %broadcast_in_dim3A_272 = arith.constant 0.000000e+00 : f32
      %broadcast_in_dim3A_273 = vector.broadcast %broadcast_in_dim3A_272 : f32 to vector<16xf32>
      %broadcast_in_dim3A_274 = arith.constant 0.000000e+00 : f32
      %broadcast_in_dim3A_275 = vector.broadcast %broadcast_in_dim3A_274 : f32 to vector<16xf32>
      %broadcast_in_dim3A_276 = arith.constant 0.000000e+00 : f32
      %broadcast_in_dim3A_277 = vector.broadcast %broadcast_in_dim3A_276 : f32 to vector<16xf32>
      %broadcast_in_dim3A_278 = arith.constant 0.000000e+00 : f32
      %broadcast_in_dim3A_279 = vector.broadcast %broadcast_in_dim3A_278 : f32 to vector<16xf32>
      %broadcast_in_dim3A_280 = arith.constant 0.000000e+00 : f32
      %broadcast_in_dim3A_281 = vector.broadcast %broadcast_in_dim3A_280 : f32 to vector<16xf32>
      %broadcast_in_dim3A_282 = arith.constant 0.000000e+00 : f32
      %broadcast_in_dim3A_283 = vector.broadcast %broadcast_in_dim3A_282 : f32 to vector<16xf32>
      %broadcast_in_dim3A_284 = arith.constant 0.000000e+00 : f32
      %broadcast_in_dim3A_285 = vector.broadcast %broadcast_in_dim3A_284 : f32 to vector<16xf32>
      %broadcast_in_dim3A_286 = arith.constant 0.000000e+00 : f32
      %broadcast_in_dim3A_287 = vector.broadcast %broadcast_in_dim3A_286 : f32 to vector<16xf32>
      %broadcast_in_dim3A_288 = arith.constant 0.000000e+00 : f32
      %broadcast_in_dim3A_289 = vector.broadcast %broadcast_in_dim3A_288 : f32 to vector<16xf32>
      %broadcast_in_dim3A_290 = arith.constant 0.000000e+00 : f32
      %broadcast_in_dim3A_291 = vector.broadcast %broadcast_in_dim3A_290 : f32 to vector<16xf32>
      %broadcast_in_dim3A_292 = arith.constant 0.000000e+00 : f32
      %broadcast_in_dim3A_293 = vector.broadcast %broadcast_in_dim3A_292 : f32 to vector<16xf32>
      %broadcast_in_dim3A_294 = arith.constant 0.000000e+00 : f32
      %broadcast_in_dim3A_295 = vector.broadcast %broadcast_in_dim3A_294 : f32 to vector<16xf32>
      %broadcast_in_dim3A_296 = arith.constant 0.000000e+00 : f32
      %broadcast_in_dim3A_297 = vector.broadcast %broadcast_in_dim3A_296 : f32 to vector<16xf32>
      %scan3A_298 = arith.constant 0 : i32
      %scan3A_299 = arith.constant 50 : i32
      %scan3A_300 = arith.addi %scan3A_298, %scan3A_299 : i32
      %scan3A_301 = arith.constant 1 : i32
      %scan3A_302:19 = scf.for %scan3A_480 = %scan3A_298 to %scan3A_300 step %scan3A_301 iter_args(%scan3A_481 = %broadcast_in_dim3A_261, %scan3A_482 = %broadcast_in_dim3A_263, %scan3A_483 = %broadcast_in_dim3A_265, %scan3A_484 = %broadcast_in_dim3A_267, %scan3A_485 = %broadcast_in_dim3A_269, %scan3A_486 = %broadcast_in_dim3A_271, %scan3A_487 = %broadcast_in_dim3A_273, %scan3A_488 = %broadcast_in_dim3A_275, %scan3A_489 = %broadcast_in_dim3A_277, %scan3A_490 = %broadcast_in_dim3A_279, %scan3A_491 = %broadcast_in_dim3A_281, %scan3A_492 = %broadcast_in_dim3A_283, %scan3A_493 = %broadcast_in_dim3A_285, %scan3A_494 = %broadcast_in_dim3A_287, %scan3A_495 = %broadcast_in_dim3A_289, %scan3A_496 = %broadcast_in_dim3A_291, %scan3A_497 = %broadcast_in_dim3A_293, %scan3A_498 = %broadcast_in_dim3A_295, %scan3A_499 = %broadcast_in_dim3A_297) -> (vector<16xf32>, vector<16xf32>, vector<16xf32>, vector<16xf32>, vector<16xf32>, vector<16xf32>, vector<16xf32>, vector<16xf32>, vector<16xf32>, vector<16xf32>, vector<16xf32>, vector<16xf32>, vector<16xf32>, vector<16xf32>, vector<16xf32>, vector<16xf32>, vector<16xf32>, vector<16xf32>, vector<16xf32>)  : i32 {
        %get3A = arith.index_cast %scan3A_480 : i32 to index
        %get3A_500 = arith.constant 0 : index
        %get3A_501 = tpu.vector_load %arg7[%get3A, %get3A_500] {strides = array<i32>} : memref<50x304xf32, #tpu.memory_space<vmem>>, vector<1x16xf32>,
        %get3A_502 = vector.shape_cast %get3A_501 : vector<1x16xf32> to vector<16xf32>
        %add3A_503 = arith.addf %scan3A_481, %get3A_502 : vector<16xf32>
        %get3A_504 = arith.index_cast %scan3A_480 : i32 to index
        %get3A_505 = arith.constant 16 : index
        %get3A_506 = tpu.vector_load %arg7[%get3A_504, %get3A_505] {strides = array<i32>} : memref<50x304xf32, #tpu.memory_space<vmem>>, vector<1x16xf32>,
        %get3A_507 = vector.shape_cast %get3A_506 : vector<1x16xf32> to vector<16xf32>
        %add3A_508 = arith.addf %scan3A_482, %get3A_507 : vector<16xf32>
        %get3A_509 = arith.index_cast %scan3A_480 : i32 to index
        %get3A_510 = arith.constant 32 : index
        %get3A_511 = tpu.vector_load %arg7[%get3A_509, %get3A_510] {strides = array<i32>} : memref<50x304xf32, #tpu.memory_space<vmem>>, vector<1x16xf32>,
        %get3A_512 = vector.shape_cast %get3A_511 : vector<1x16xf32> to vector<16xf32>
        %add3A_513 = arith.addf %scan3A_483, %get3A_512 : vector<16xf32>
        %get3A_514 = arith.index_cast %scan3A_480 : i32 to index
        %get3A_515 = arith.constant 48 : index
        %get3A_516 = tpu.vector_load %arg7[%get3A_514, %get3A_515] {strides = array<i32>} : memref<50x304xf32, #tpu.memory_space<vmem>>, vector<1x16xf32>,
        %get3A_517 = vector.shape_cast %get3A_516 : vector<1x16xf32> to vector<16xf32>
        %add3A_518 = arith.addf %scan3A_484, %get3A_517 : vector<16xf32>
        %get3A_519 = arith.index_cast %scan3A_480 : i32 to index
        %get3A_520 = arith.constant 64 : index
        %get3A_521 = tpu.vector_load %arg7[%get3A_519, %get3A_520] {strides = array<i32>} : memref<50x304xf32, #tpu.memory_space<vmem>>, vector<1x16xf32>,
        %get3A_522 = vector.shape_cast %get3A_521 : vector<1x16xf32> to vector<16xf32>
        %add3A_523 = arith.addf %scan3A_485, %get3A_522 : vector<16xf32>
        %get3A_524 = arith.index_cast %scan3A_480 : i32 to index
        %get3A_525 = arith.constant 80 : index
        %get3A_526 = tpu.vector_load %arg7[%get3A_524, %get3A_525] {strides = array<i32>} : memref<50x304xf32, #tpu.memory_space<vmem>>, vector<1x16xf32>,
        %get3A_527 = vector.shape_cast %get3A_526 : vector<1x16xf32> to vector<16xf32>
        %add3A_528 = arith.addf %scan3A_486, %get3A_527 : vector<16xf32>
        %get3A_529 = arith.index_cast %scan3A_480 : i32 to index
        %get3A_530 = arith.constant 96 : index
        %get3A_531 = tpu.vector_load %arg7[%get3A_529, %get3A_530] {strides = array<i32>} : memref<50x304xf32, #tpu.memory_space<vmem>>, vector<1x16xf32>,
        %get3A_532 = vector.shape_cast %get3A_531 : vector<1x16xf32> to vector<16xf32>
        %add3A_533 = arith.addf %scan3A_487, %get3A_532 : vector<16xf32>
        %get3A_534 = arith.index_cast %scan3A_480 : i32 to index
        %get3A_535 = arith.constant 112 : index
        %get3A_536 = tpu.vector_load %arg7[%get3A_534, %get3A_535] {strides = array<i32>} : memref<50x304xf32, #tpu.memory_space<vmem>>, vector<1x16xf32>,
        %get3A_537 = vector.shape_cast %get3A_536 : vector<1x16xf32> to vector<16xf32>
        %add3A_538 = arith.addf %scan3A_488, %get3A_537 : vector<16xf32>
        %get3A_539 = arith.index_cast %scan3A_480 : i32 to index
        %get3A_540 = arith.constant 128 : index
        %get3A_541 = tpu.vector_load %arg7[%get3A_539, %get3A_540] {strides = array<i32>} : memref<50x304xf32, #tpu.memory_space<vmem>>, vector<1x16xf32>,
        %get3A_542 = vector.shape_cast %get3A_541 : vector<1x16xf32> to vector<16xf32>
        %add3A_543 = arith.addf %scan3A_489, %get3A_542 : vector<16xf32>
        %get3A_544 = arith.index_cast %scan3A_480 : i32 to index
        %get3A_545 = arith.constant 144 : index
        %get3A_546 = tpu.vector_load %arg7[%get3A_544, %get3A_545] {strides = array<i32>} : memref<50x304xf32, #tpu.memory_space<vmem>>, vector<1x16xf32>,
        %get3A_547 = vector.shape_cast %get3A_546 : vector<1x16xf32> to vector<16xf32>
        %add3A_548 = arith.addf %scan3A_490, %get3A_547 : vector<16xf32>
        %get3A_549 = arith.index_cast %scan3A_480 : i32 to index
        %get3A_550 = arith.constant 160 : index
        %get3A_551 = tpu.vector_load %arg7[%get3A_549, %get3A_550] {strides = array<i32>} : memref<50x304xf32, #tpu.memory_space<vmem>>, vector<1x16xf32>,
        %get3A_552 = vector.shape_cast %get3A_551 : vector<1x16xf32> to vector<16xf32>
        %add3A_553 = arith.addf %scan3A_491, %get3A_552 : vector<16xf32>
        %get3A_554 = arith.index_cast %scan3A_480 : i32 to index
        %get3A_555 = arith.constant 176 : index
        %get3A_556 = tpu.vector_load %arg7[%get3A_554, %get3A_555] {strides = array<i32>} : memref<50x304xf32, #tpu.memory_space<vmem>>, vector<1x16xf32>,
        %get3A_557 = vector.shape_cast %get3A_556 : vector<1x16xf32> to vector<16xf32>
        %add3A_558 = arith.addf %scan3A_492, %get3A_557 : vector<16xf32>
        %get3A_559 = arith.index_cast %scan3A_480 : i32 to index
        %get3A_560 = arith.constant 192 : index
        %get3A_561 = tpu.vector_load %arg7[%get3A_559, %get3A_560] {strides = array<i32>} : memref<50x304xf32, #tpu.memory_space<vmem>>, vector<1x16xf32>,
        %get3A_562 = vector.shape_cast %get3A_561 : vector<1x16xf32> to vector<16xf32>
        %add3A_563 = arith.addf %scan3A_493, %get3A_562 : vector<16xf32>
        %get3A_564 = arith.index_cast %scan3A_480 : i32 to index
        %get3A_565 = arith.constant 208 : index
        %get3A_566 = tpu.vector_load %arg7[%get3A_564, %get3A_565] {strides = array<i32>} : memref<50x304xf32, #tpu.memory_space<vmem>>, vector<1x16xf32>,
        %get3A_567 = vector.shape_cast %get3A_566 : vector<1x16xf32> to vector<16xf32>
        %add3A_568 = arith.addf %scan3A_494, %get3A_567 : vector<16xf32>
        %get3A_569 = arith.index_cast %scan3A_480 : i32 to index
        %get3A_570 = arith.constant 224 : index
        %get3A_571 = tpu.vector_load %arg7[%get3A_569, %get3A_570] {strides = array<i32>} : memref<50x304xf32, #tpu.memory_space<vmem>>, vector<1x16xf32>,
        %get3A_572 = vector.shape_cast %get3A_571 : vector<1x16xf32> to vector<16xf32>
        %add3A_573 = arith.addf %scan3A_495, %get3A_572 : vector<16xf32>
        %get3A_574 = arith.index_cast %scan3A_480 : i32 to index
        %get3A_575 = arith.constant 240 : index
        %get3A_576 = tpu.vector_load %arg7[%get3A_574, %get3A_575] {strides = array<i32>} : memref<50x304xf32, #tpu.memory_space<vmem>>, vector<1x16xf32>,
        %get3A_577 = vector.shape_cast %get3A_576 : vector<1x16xf32> to vector<16xf32>
        %add3A_578 = arith.addf %scan3A_496, %get3A_577 : vector<16xf32>
        %get3A_579 = arith.index_cast %scan3A_480 : i32 to index
        %get3A_580 = arith.constant 256 : index
        %get3A_581 = tpu.vector_load %arg7[%get3A_579, %get3A_580] {strides = array<i32>} : memref<50x304xf32, #tpu.memory_space<vmem>>, vector<1x16xf32>,
        %get3A_582 = vector.shape_cast %get3A_581 : vector<1x16xf32> to vector<16xf32>
        %add3A_583 = arith.addf %scan3A_497, %get3A_582 : vector<16xf32>
        %get3A_584 = arith.index_cast %scan3A_480 : i32 to index
        %get3A_585 = arith.constant 272 : index
        %get3A_586 = tpu.vector_load %arg7[%get3A_584, %get3A_585] {strides = array<i32>} : memref<50x304xf32, #tpu.memory_space<vmem>>, vector<1x16xf32>,
        %get3A_587 = vector.shape_cast %get3A_586 : vector<1x16xf32> to vector<16xf32>
        %add3A_588 = arith.addf %scan3A_498, %get3A_587 : vector<16xf32>
        %get3A_589 = arith.index_cast %scan3A_480 : i32 to index
        %get3A_590 = arith.constant 288 : index
        %get3A_591 = tpu.vector_load %arg7[%get3A_589, %get3A_590] {strides = array<i32>} : memref<50x304xf32, #tpu.memory_space<vmem>>, vector<1x16xf32>,
        %get3A_592 = vector.shape_cast %get3A_591 : vector<1x16xf32> to vector<16xf32>
        %add3A_593 = arith.addf %scan3A_499, %get3A_592 : vector<16xf32>
        scf.yield %add3A_503, %add3A_508, %add3A_513, %add3A_518, %add3A_523, %add3A_528, %add3A_533, %add3A_538, %add3A_543, %add3A_548, %add3A_553, %add3A_558, %add3A_563, %add3A_568, %add3A_573, %add3A_578, %add3A_583, %add3A_588, %add3A_593 : vector<16xf32>, vector<16xf32>, vector<16xf32>, vector<16xf32>, vector<16xf32>, vector<16xf32>, vector<16xf32>, vector<16xf32>, vector<16xf32>, vector<16xf32>, vector<16xf32>, vector<16xf32>, vector<16xf32>, vector<16xf32>, vector<16xf32>, vector<16xf32>, vector<16xf32>, vector<16xf32>, vector<16xf32>
      }
      %scan3A_303 = arith.constant 50 : i32
      %mul3A_304 = arith.constant 2.000000e-02 : f32
      %mul3A_305 = vector.broadcast %mul3A_304 : f32 to vector<16xf32>
      %mul3A_306 = arith.mulf %scan3A_302#0, %mul3A_305 : vector<16xf32>
      %swap3A_307 = arith.index_cast %add3A_259 : i32 to index
      %swap3A_308 = arith.constant 0 : index
      %swap3A_309 = tpu.vector_load %arg8[%swap3A_307, %swap3A_308] {strides = array<i32>} : memref<128x304xf32, #tpu.memory_space<vmem>>, vector<1x16xf32>,
      %swap3A_310 = vector.shape_cast %swap3A_309 : vector<1x16xf32> to vector<16xf32>
      %swap3A_311 = vector.shape_cast %mul3A_306 : vector<16xf32> to vector<1x16xf32>
      tpu.vector_store %arg8[%swap3A_307, %swap3A_308], %swap3A_311 {strides = array<i32>} : memref<128x304xf32, #tpu.memory_space<vmem>>, vector<1x16xf32>,
      %mul3A_312 = arith.constant 2.000000e-02 : f32
      %mul3A_313 = vector.broadcast %mul3A_312 : f32 to vector<16xf32>
      %mul3A_314 = arith.mulf %scan3A_302#1, %mul3A_313 : vector<16xf32>
      %swap3A_315 = arith.index_cast %add3A_259 : i32 to index
      %swap3A_316 = arith.constant 16 : index
      %swap3A_317 = tpu.vector_load %arg8[%swap3A_315, %swap3A_316] {strides = array<i32>} : memref<128x304xf32, #tpu.memory_space<vmem>>, vector<1x16xf32>,
      %swap3A_318 = vector.shape_cast %swap3A_317 : vector<1x16xf32> to vector<16xf32>
      %swap3A_319 = vector.shape_cast %mul3A_314 : vector<16xf32> to vector<1x16xf32>
      tpu.vector_store %arg8[%swap3A_315, %swap3A_316], %swap3A_319 {strides = array<i32>} : memref<128x304xf32, #tpu.memory_space<vmem>>, vector<1x16xf32>,
      %mul3A_320 = arith.constant 2.000000e-02 : f32
      %mul3A_321 = vector.broadcast %mul3A_320 : f32 to vector<16xf32>
      %mul3A_322 = arith.mulf %scan3A_302#2, %mul3A_321 : vector<16xf32>
      %swap3A_323 = arith.index_cast %add3A_259 : i32 to index
      %swap3A_324 = arith.constant 32 : index
      %swap3A_325 = tpu.vector_load %arg8[%swap3A_323, %swap3A_324] {strides = array<i32>} : memref<128x304xf32, #tpu.memory_space<vmem>>, vector<1x16xf32>,
      %swap3A_326 = vector.shape_cast %swap3A_325 : vector<1x16xf32> to vector<16xf32>
      %swap3A_327 = vector.shape_cast %mul3A_322 : vector<16xf32> to vector<1x16xf32>
      tpu.vector_store %arg8[%swap3A_323, %swap3A_324], %swap3A_327 {strides = array<i32>} : memref<128x304xf32, #tpu.memory_space<vmem>>, vector<1x16xf32>,
      %mul3A_328 = arith.constant 2.000000e-02 : f32
      %mul3A_329 = vector.broadcast %mul3A_328 : f32 to vector<16xf32>
      %mul3A_330 = arith.mulf %scan3A_302#3, %mul3A_329 : vector<16xf32>
      %swap3A_331 = arith.index_cast %add3A_259 : i32 to index
      %swap3A_332 = arith.constant 48 : index
      %swap3A_333 = tpu.vector_load %arg8[%swap3A_331, %swap3A_332] {strides = array<i32>} : memref<128x304xf32, #tpu.memory_space<vmem>>, vector<1x16xf32>,
      %swap3A_334 = vector.shape_cast %swap3A_333 : vector<1x16xf32> to vector<16xf32>
      %swap3A_335 = vector.shape_cast %mul3A_330 : vector<16xf32> to vector<1x16xf32>
      tpu.vector_store %arg8[%swap3A_331, %swap3A_332], %swap3A_335 {strides = array<i32>} : memref<128x304xf32, #tpu.memory_space<vmem>>, vector<1x16xf32>,
      %mul3A_336 = arith.constant 2.000000e-02 : f32
      %mul3A_337 = vector.broadcast %mul3A_336 : f32 to vector<16xf32>
      %mul3A_338 = arith.mulf %scan3A_302#4, %mul3A_337 : vector<16xf32>
      %swap3A_339 = arith.index_cast %add3A_259 : i32 to index
      %swap3A_340 = arith.constant 64 : index
      %swap3A_341 = tpu.vector_load %arg8[%swap3A_339, %swap3A_340] {strides = array<i32>} : memref<128x304xf32, #tpu.memory_space<vmem>>, vector<1x16xf32>,
      %swap3A_342 = vector.shape_cast %swap3A_341 : vector<1x16xf32> to vector<16xf32>
      %swap3A_343 = vector.shape_cast %mul3A_338 : vector<16xf32> to vector<1x16xf32>
      tpu.vector_store %arg8[%swap3A_339, %swap3A_340], %swap3A_343 {strides = array<i32>} : memref<128x304xf32, #tpu.memory_space<vmem>>, vector<1x16xf32>,
      %mul3A_344 = arith.constant 2.000000e-02 : f32
      %mul3A_345 = vector.broadcast %mul3A_344 : f32 to vector<16xf32>
      %mul3A_346 = arith.mulf %scan3A_302#5, %mul3A_345 : vector<16xf32>
      %swap3A_347 = arith.index_cast %add3A_259 : i32 to index
      %swap3A_348 = arith.constant 80 : index
      %swap3A_349 = tpu.vector_load %arg8[%swap3A_347, %swap3A_348] {strides = array<i32>} : memref<128x304xf32, #tpu.memory_space<vmem>>, vector<1x16xf32>,
      %swap3A_350 = vector.shape_cast %swap3A_349 : vector<1x16xf32> to vector<16xf32>
      %swap3A_351 = vector.shape_cast %mul3A_346 : vector<16xf32> to vector<1x16xf32>
      tpu.vector_store %arg8[%swap3A_347, %swap3A_348], %swap3A_351 {strides = array<i32>} : memref<128x304xf32, #tpu.memory_space<vmem>>, vector<1x16xf32>,
      %mul3A_352 = arith.constant 2.000000e-02 : f32
      %mul3A_353 = vector.broadcast %mul3A_352 : f32 to vector<16xf32>
      %mul3A_354 = arith.mulf %scan3A_302#6, %mul3A_353 : vector<16xf32>
      %swap3A_355 = arith.index_cast %add3A_259 : i32 to index
      %swap3A_356 = arith.constant 96 : index
      %swap3A_357 = tpu.vector_load %arg8[%swap3A_355, %swap3A_356] {strides = array<i32>} : memref<128x304xf32, #tpu.memory_space<vmem>>, vector<1x16xf32>,
      %swap3A_358 = vector.shape_cast %swap3A_357 : vector<1x16xf32> to vector<16xf32>
      %swap3A_359 = vector.shape_cast %mul3A_354 : vector<16xf32> to vector<1x16xf32>
      tpu.vector_store %arg8[%swap3A_355, %swap3A_356], %swap3A_359 {strides = array<i32>} : memref<128x304xf32, #tpu.memory_space<vmem>>, vector<1x16xf32>,
      %mul3A_360 = arith.constant 2.000000e-02 : f32
      %mul3A_361 = vector.broadcast %mul3A_360 : f32 to vector<16xf32>
      %mul3A_362 = arith.mulf %scan3A_302#7, %mul3A_361 : vector<16xf32>
      %swap3A_363 = arith.index_cast %add3A_259 : i32 to index
      %swap3A_364 = arith.constant 112 : index
      %swap3A_365 = tpu.vector_load %arg8[%swap3A_363, %swap3A_364] {strides = array<i32>} : memref<128x304xf32, #tpu.memory_space<vmem>>, vector<1x16xf32>,
      %swap3A_366 = vector.shape_cast %swap3A_365 : vector<1x16xf32> to vector<16xf32>
      %swap3A_367 = vector.shape_cast %mul3A_362 : vector<16xf32> to vector<1x16xf32>
      tpu.vector_store %arg8[%swap3A_363, %swap3A_364], %swap3A_367 {strides = array<i32>} : memref<128x304xf32, #tpu.memory_space<vmem>>, vector<1x16xf32>,
      %mul3A_368 = arith.constant 2.000000e-02 : f32
      %mul3A_369 = vector.broadcast %mul3A_368 : f32 to vector<16xf32>
      %mul3A_370 = arith.mulf %scan3A_302#8, %mul3A_369 : vector<16xf32>
      %swap3A_371 = arith.index_cast %add3A_259 : i32 to index
      %swap3A_372 = arith.constant 128 : index
      %swap3A_373 = tpu.vector_load %arg8[%swap3A_371, %swap3A_372] {strides = array<i32>} : memref<128x304xf32, #tpu.memory_space<vmem>>, vector<1x16xf32>,
      %swap3A_374 = vector.shape_cast %swap3A_373 : vector<1x16xf32> to vector<16xf32>
      %swap3A_375 = vector.shape_cast %mul3A_370 : vector<16xf32> to vector<1x16xf32>
      tpu.vector_store %arg8[%swap3A_371, %swap3A_372], %swap3A_375 {strides = array<i32>} : memref<128x304xf32, #tpu.memory_space<vmem>>, vector<1x16xf32>,
      %mul3A_376 = arith.constant 2.000000e-02 : f32
      %mul3A_377 = vector.broadcast %mul3A_376 : f32 to vector<16xf32>
      %mul3A_378 = arith.mulf %scan3A_302#9, %mul3A_377 : vector<16xf32>
      %swap3A_379 = arith.index_cast %add3A_259 : i32 to index
      %swap3A_380 = arith.constant 144 : index
      %swap3A_381 = tpu.vector_load %arg8[%swap3A_379, %swap3A_380] {strides = array<i32>} : memref<128x304xf32, #tpu.memory_space<vmem>>, vector<1x16xf32>,
      %swap3A_382 = vector.shape_cast %swap3A_381 : vector<1x16xf32> to vector<16xf32>
      %swap3A_383 = vector.shape_cast %mul3A_378 : vector<16xf32> to vector<1x16xf32>
      tpu.vector_store %arg8[%swap3A_379, %swap3A_380], %swap3A_383 {strides = array<i32>} : memref<128x304xf32, #tpu.memory_space<vmem>>, vector<1x16xf32>,
      %mul3A_384 = arith.constant 2.000000e-02 : f32
      %mul3A_385 = vector.broadcast %mul3A_384 : f32 to vector<16xf32>
      %mul3A_386 = arith.mulf %scan3A_302#10, %mul3A_385 : vector<16xf32>
      %swap3A_387 = arith.index_cast %add3A_259 : i32 to index
      %swap3A_388 = arith.constant 160 : index
      %swap3A_389 = tpu.vector_load %arg8[%swap3A_387, %swap3A_388] {strides = array<i32>} : memref<128x304xf32, #tpu.memory_space<vmem>>, vector<1x16xf32>,
      %swap3A_390 = vector.shape_cast %swap3A_389 : vector<1x16xf32> to vector<16xf32>
      %swap3A_391 = vector.shape_cast %mul3A_386 : vector<16xf32> to vector<1x16xf32>
      tpu.vector_store %arg8[%swap3A_387, %swap3A_388], %swap3A_391 {strides = array<i32>} : memref<128x304xf32, #tpu.memory_space<vmem>>, vector<1x16xf32>,
      %mul3A_392 = arith.constant 2.000000e-02 : f32
      %mul3A_393 = vector.broadcast %mul3A_392 : f32 to vector<16xf32>
      %mul3A_394 = arith.mulf %scan3A_302#11, %mul3A_393 : vector<16xf32>
      %swap3A_395 = arith.index_cast %add3A_259 : i32 to index
      %swap3A_396 = arith.constant 176 : index
      %swap3A_397 = tpu.vector_load %arg8[%swap3A_395, %swap3A_396] {strides = array<i32>} : memref<128x304xf32, #tpu.memory_space<vmem>>, vector<1x16xf32>,
      %swap3A_398 = vector.shape_cast %swap3A_397 : vector<1x16xf32> to vector<16xf32>
      %swap3A_399 = vector.shape_cast %mul3A_394 : vector<16xf32> to vector<1x16xf32>
      tpu.vector_store %arg8[%swap3A_395, %swap3A_396], %swap3A_399 {strides = array<i32>} : memref<128x304xf32, #tpu.memory_space<vmem>>, vector<1x16xf32>,
      %mul3A_400 = arith.constant 2.000000e-02 : f32
      %mul3A_401 = vector.broadcast %mul3A_400 : f32 to vector<16xf32>
      %mul3A_402 = arith.mulf %scan3A_302#12, %mul3A_401 : vector<16xf32>
      %swap3A_403 = arith.index_cast %add3A_259 : i32 to index
      %swap3A_404 = arith.constant 192 : index
      %swap3A_405 = tpu.vector_load %arg8[%swap3A_403, %swap3A_404] {strides = array<i32>} : memref<128x304xf32, #tpu.memory_space<vmem>>, vector<1x16xf32>,
      %swap3A_406 = vector.shape_cast %swap3A_405 : vector<1x16xf32> to vector<16xf32>
      %swap3A_407 = vector.shape_cast %mul3A_402 : vector<16xf32> to vector<1x16xf32>
      tpu.vector_store %arg8[%swap3A_403, %swap3A_404], %swap3A_407 {strides = array<i32>} : memref<128x304xf32, #tpu.memory_space<vmem>>, vector<1x16xf32>,
      %mul3A_408 = arith.constant 2.000000e-02 : f32
      %mul3A_409 = vector.broadcast %mul3A_408 : f32 to vector<16xf32>
      %mul3A_410 = arith.mulf %scan3A_302#13, %mul3A_409 : vector<16xf32>
      %swap3A_411 = arith.index_cast %add3A_259 : i32 to index
      %swap3A_412 = arith.constant 208 : index
      %swap3A_413 = tpu.vector_load %arg8[%swap3A_411, %swap3A_412] {strides = array<i32>} : memref<128x304xf32, #tpu.memory_space<vmem>>, vector<1x16xf32>,
      %swap3A_414 = vector.shape_cast %swap3A_413 : vector<1x16xf32> to vector<16xf32>
      %swap3A_415 = vector.shape_cast %mul3A_410 : vector<16xf32> to vector<1x16xf32>
      tpu.vector_store %arg8[%swap3A_411, %swap3A_412], %swap3A_415 {strides = array<i32>} : memref<128x304xf32, #tpu.memory_space<vmem>>, vector<1x16xf32>,
      %mul3A_416 = arith.constant 2.000000e-02 : f32
      %mul3A_417 = vector.broadcast %mul3A_416 : f32 to vector<16xf32>
      %mul3A_418 = arith.mulf %scan3A_302#14, %mul3A_417 : vector<16xf32>
      %swap3A_419 = arith.index_cast %add3A_259 : i32 to index
      %swap3A_420 = arith.constant 224 : index
      %swap3A_421 = tpu.vector_load %arg8[%swap3A_419, %swap3A_420] {strides = array<i32>} : memref<128x304xf32, #tpu.memory_space<vmem>>, vector<1x16xf32>,
      %swap3A_422 = vector.shape_cast %swap3A_421 : vector<1x16xf32> to vector<16xf32>
      %swap3A_423 = vector.shape_cast %mul3A_418 : vector<16xf32> to vector<1x16xf32>
      tpu.vector_store %arg8[%swap3A_419, %swap3A_420], %swap3A_423 {strides = array<i32>} : memref<128x304xf32, #tpu.memory_space<vmem>>, vector<1x16xf32>,
      %mul3A_424 = arith.constant 2.000000e-02 : f32
      %mul3A_425 = vector.broadcast %mul3A_424 : f32 to vector<16xf32>
      %mul3A_426 = arith.mulf %scan3A_302#15, %mul3A_425 : vector<16xf32>
      %swap3A_427 = arith.index_cast %add3A_259 : i32 to index
      %swap3A_428 = arith.constant 240 : index
      %swap3A_429 = tpu.vector_load %arg8[%swap3A_427, %swap3A_428] {strides = array<i32>} : memref<128x304xf32, #tpu.memory_space<vmem>>, vector<1x16xf32>,
      %swap3A_430 = vector.shape_cast %swap3A_429 : vector<1x16xf32> to vector<16xf32>
      %swap3A_431 = vector.shape_cast %mul3A_426 : vector<16xf32> to vector<1x16xf32>
      tpu.vector_store %arg8[%swap3A_427, %swap3A_428], %swap3A_431 {strides = array<i32>} : memref<128x304xf32, #tpu.memory_space<vmem>>, vector<1x16xf32>,
      %mul3A_432 = arith.constant 2.000000e-02 : f32
      %mul3A_433 = vector.broadcast %mul3A_432 : f32 to vector<16xf32>
      %mul3A_434 = arith.mulf %scan3A_302#16, %mul3A_433 : vector<16xf32>
      %swap3A_435 = arith.index_cast %add3A_259 : i32 to index
      %swap3A_436 = arith.constant 256 : index
      %swap3A_437 = tpu.vector_load %arg8[%swap3A_435, %swap3A_436] {strides = array<i32>} : memref<128x304xf32, #tpu.memory_space<vmem>>, vector<1x16xf32>,
      %swap3A_438 = vector.shape_cast %swap3A_437 : vector<1x16xf32> to vector<16xf32>
      %swap3A_439 = vector.shape_cast %mul3A_434 : vector<16xf32> to vector<1x16xf32>
      tpu.vector_store %arg8[%swap3A_435, %swap3A_436], %swap3A_439 {strides = array<i32>} : memref<128x304xf32, #tpu.memory_space<vmem>>, vector<1x16xf32>,
      %mul3A_440 = arith.constant 2.000000e-02 : f32
      %mul3A_441 = vector.broadcast %mul3A_440 : f32 to vector<16xf32>
      %mul3A_442 = arith.mulf %scan3A_302#17, %mul3A_441 : vector<16xf32>
      %swap3A_443 = arith.index_cast %add3A_259 : i32 to index
      %swap3A_444 = arith.constant 272 : index
      %swap3A_445 = tpu.vector_load %arg8[%swap3A_443, %swap3A_444] {strides = array<i32>} : memref<128x304xf32, #tpu.memory_space<vmem>>, vector<1x16xf32>,
      %swap3A_446 = vector.shape_cast %swap3A_445 : vector<1x16xf32> to vector<16xf32>
      %swap3A_447 = vector.shape_cast %mul3A_442 : vector<16xf32> to vector<1x16xf32>
      tpu.vector_store %arg8[%swap3A_443, %swap3A_444], %swap3A_447 {strides = array<i32>} : memref<128x304xf32, #tpu.memory_space<vmem>>, vector<1x16xf32>,
      %mul3A_448 = arith.constant 2.000000e-02 : f32
      %mul3A_449 = vector.broadcast %mul3A_448 : f32 to vector<16xf32>
      %mul3A_450 = arith.mulf %scan3A_302#18, %mul3A_449 : vector<16xf32>
      %swap3A_451 = arith.index_cast %add3A_259 : i32 to index
      %swap3A_452 = arith.constant 288 : index
      %swap3A_453 = tpu.vector_load %arg8[%swap3A_451, %swap3A_452] {strides = array<i32>} : memref<128x304xf32, #tpu.memory_space<vmem>>, vector<1x16xf32>,
      %swap3A_454 = vector.shape_cast %swap3A_453 : vector<1x16xf32> to vector<16xf32>
      %swap3A_455 = vector.shape_cast %mul3A_450 : vector<16xf32> to vector<1x16xf32>
      tpu.vector_store %arg8[%swap3A_451, %swap3A_452], %swap3A_455 {strides = array<i32>} : memref<128x304xf32, #tpu.memory_space<vmem>>, vector<1x16xf32>,
      %add3A_456 = arith.constant 3 : i32
      %add3A_457 = arith.addi %mul3A_34, %add3A_456 : i32
      %jit3A_458 = arith.constant 128 : i32
      %eq3A_459 = arith.constant 0 : i32
      %eq3A_460 = arith.cmpi eq, %jit3A_458, %eq3A_459 : i32
      %jit3A_461 = arith.constant 1 : i32
      %select_n3A_462 = arith.select %eq3A_460, %jit3A_461, %jit3A_458 : i32
      %rem3A_463 = arith.remsi %add3A_457, %select_n3A_462 : i32
      %ne3A_464 = arith.constant 0 : i32
      %ne3A_465 = arith.cmpi ne, %rem3A_463, %ne3A_464 : i32
      %lt3A_466 = arith.constant 0 : i32
      %lt3A_467 = arith.cmpi slt, %rem3A_463, %lt3A_466 : i32
      %lt3A_468 = arith.constant 0 : i32
      %lt3A_469 = arith.cmpi slt, %select_n3A_462, %lt3A_468 : i32
      %ne3A_470 = arith.xori %lt3A_467, %lt3A_469 : i1
      %and3A_471 = arith.andi %ne3A_470, %ne3A_465 : i1
      %add3A_472 = arith.addi %rem3A_463, %select_n3A_462 : i32
      %select_n3A_473 = arith.select %and3A_471, %add3A_472, %rem3A_463 : i32
      %dma_start3A_474 = arith.constant 0 : i32
      %dma_start3A_475 = tpu.memref_slice %arg5[%select_n3A_473, %dma_start3A_474] : memref<128x50xi32, #tpu.memory_space<vmem>> -> memref<1x50xi32, #tpu.memory_space<vmem>>
      %dma_start3A_476 = tpu.memref_squeeze %dma_start3A_475 : memref<1x50xi32, #tpu.memory_space<vmem>> -> memref<50xi32, #tpu.memory_space<vmem>>
      %dma_start3A_477 = arith.constant 0 : i32
      %dma_start3A_478 = arith.constant 0 : i32
      %dma_start3A_479 = tpu.memref_slice %arg2[%dma_start3A_477, %dma_start3A_478] : memref<100000x304xf32, #tpu.memory_space<hbm>> -> memref<100000x304xf32, #tpu.memory_space<hbm>>
      tpu.enqueue_indirect_dma source(%dma_start3A_479 : memref<100000x304xf32, #tpu.memory_space<hbm>>) target(%arg7 : memref<50x304xf32, #tpu.memory_space<vmem>>) offsets(%dma_start3A_476 : memref<50xi32, #tpu.memory_space<vmem>>) semaphore(%arg10 : memref<!tpu.dma_semaphore, #tpu.memory_space<semaphore_mem>>)
    }
    %scan3A_20 = arith.constant 64 : i32
    %dma_wait3A = arith.constant 0 : i32
    %dma_wait3A_21 = arith.constant 0 : i32
    %dma_wait3A_22 = tpu.memref_slice %arg2[%dma_wait3A, %dma_wait3A_21] : memref<100000x304xf32, #tpu.memory_space<hbm>> -> memref<50x304xf32, #tpu.memory_space<hbm>>
    %dma_wait3A_23 = arith.constant 0 : i32
    %dma_wait3A_24 = arith.constant 0 : i32
    %dma_wait3A_25 = tpu.memref_slice %arg2[%dma_wait3A_23, %dma_wait3A_24] : memref<100000x304xf32, #tpu.memory_space<hbm>> -> memref<50x304xf32, #tpu.memory_space<hbm>>
    tpu.wait_dma2 semaphore(%arg9 : memref<!tpu.dma_semaphore, #tpu.memory_space<semaphore_mem>>) src(%dma_wait3A_25 : memref<50x304xf32, #tpu.memory_space<hbm>>) dst(%arg6 : memref<50x304xf32, #tpu.memory_space<vmem>>)
    %dma_wait3A_26 = arith.constant 0 : i32
    %dma_wait3A_27 = arith.constant 0 : i32
    %dma_wait3A_28 = tpu.memref_slice %arg2[%dma_wait3A_26, %dma_wait3A_27] : memref<100000x304xf32, #tpu.memory_space<hbm>> -> memref<50x304xf32, #tpu.memory_space<hbm>>
    %dma_wait3A_29 = arith.constant 0 : i32
    %dma_wait3A_30 = arith.constant 0 : i32
    %dma_wait3A_31 = tpu.memref_slice %arg2[%dma_wait3A_29, %dma_wait3A_30] : memref<100000x304xf32, #tpu.memory_space<hbm>> -> memref<50x304xf32, #tpu.memory_space<hbm>>
    tpu.wait_dma2 semaphore(%arg10 : memref<!tpu.dma_semaphore, #tpu.memory_space<semaphore_mem>>) src(%dma_wait3A_31 : memref<50x304xf32, #tpu.memory_space<hbm>>) dst(%arg7 : memref<50x304xf32, #tpu.memory_space<vmem>>)
    "tpu.region"() ({
      %run_scoped3A = tpu.sem_alloc : memref<!tpu.dma_semaphore, #tpu.memory_space<semaphore_mem>>
      %dma_start3A_32 = arith.constant 0 : i32
      %dma_start3A_33 = tpu.memref_slice %arg4[%mul3A_2, %dma_start3A_32] : memref<4096x304xf32, #tpu.memory_space<hbm>> -> memref<128x304xf32, #tpu.memory_space<hbm>>
      %dma_start3A_34 = arith.constant 0 : i32
      %dma_start3A_35 = tpu.memref_slice %arg4[%mul3A_2, %dma_start3A_34] : memref<4096x304xf32, #tpu.memory_space<hbm>> -> memref<128x304xf32, #tpu.memory_space<hbm>>
      tpu.enqueue_dma source(%arg8 : memref<128x304xf32, #tpu.memory_space<vmem>>) target(%dma_start3A_35 : memref<128x304xf32, #tpu.memory_space<hbm>>) target_semaphore(%run_scoped3A : memref<!tpu.dma_semaphore, #tpu.memory_space<semaphore_mem>>)
      %dma_wait3A_36 = arith.constant 0 : i32
      %dma_wait3A_37 = tpu.memref_slice %arg4[%mul3A_2, %dma_wait3A_36] : memref<4096x304xf32, #tpu.memory_space<hbm>> -> memref<128x304xf32, #tpu.memory_space<hbm>>
      %dma_wait3A_38 = arith.constant 0 : i32
      %dma_wait3A_39 = tpu.memref_slice %arg4[%mul3A_2, %dma_wait3A_38] : memref<4096x304xf32, #tpu.memory_space<hbm>> -> memref<128x304xf32, #tpu.memory_space<hbm>>
      tpu.wait_dma2 semaphore(%run_scoped3A : memref<!tpu.dma_semaphore, #tpu.memory_space<semaphore_mem>>) src(%arg8 : memref<128x304xf32, #tpu.memory_space<vmem>>) dst(%dma_wait3A_39 : memref<128x304xf32, #tpu.memory_space<hbm>>)
      tpu.yield
    }) : () -> ()
    return
  }
}

module attributes {stable_mosaic.version = 14 : i64} {
  func.func @_pad_body(%arg0: i32, %arg1: memref<4000x300xf32, #tpu.memory_space<vmem>>, %arg2: memref<4000x304xf32, #tpu.memory_space<vmem>>) attributes {dimension_semantics = [#tpu.dimension_semantics<parallel>], iteration_bounds = array<i64: 25>, scalar_prefetch = 0 : i64, scratch_operands = 0 : i64, tpu.core_type = #tpu.core_type<tc>, window_params = [{transform_indices = @transform_0, window_bounds = array<i64: 4000, 300>}, {transform_indices = @transform_1, window_bounds = array<i64: 4000, 304>}]} {
    %get3A = arith.constant 0 : index
    %get3A_0 = arith.constant 0 : index
    %get3A_1 = vector.load %arg1[%get3A, %get3A_0] : memref<4000x300xf32, #tpu.memory_space<vmem>>, vector<4000x300xf32>
    %jit3A = arith.constant 0 : i32
    %convert_element_type3A = arith.sitofp %jit3A : i32 to f32
    %pad3A = vector.broadcast %convert_element_type3A : f32 to vector<4000x4xf32>
    %pad3A_2 = tpu.concatenate %get3A_1, %pad3A in 1 : vector<4000x300xf32>, vector<4000x4xf32> -> vector<4000x304xf32>
    %swap3A = arith.constant 0 : index
    %swap3A_3 = arith.constant 0 : index
    %swap3A_4 = vector.load %arg2[%swap3A, %swap3A_3] : memref<4000x304xf32, #tpu.memory_space<vmem>>, vector<4000x304xf32>
    tpu.vector_store %arg2[%swap3A, %swap3A_3], %pad3A_2 {strides = array<i32>} : memref<4000x304xf32, #tpu.memory_space<vmem>>, vector<4000x304xf32>,
    return
  }
  func.func @transform_0(%arg0: i32) -> (i32, i32) {
    %c0_i32 = arith.constant 0 : i32
    %c0_i32_0 = arith.constant 0 : i32
    return %arg0, %c0_i32 : i32, i32
  }
  func.func @transform_1(%arg0: i32) -> (i32, i32) {
    %c0_i32 = arith.constant 0 : i32
    %c0_i32_0 = arith.constant 0 : i32
    return %arg0, %c0_i32 : i32, i32
  }
}

module attributes {stable_mosaic.version = 14 : i64} {
  func.func @_mm_body(%arg0: i32, %arg1: memref<512x304xf32, #tpu.memory_space<vmem>>, %arg2: memref<300x304xf32, #tpu.memory_space<vmem>>, %arg3: memref<1x300xf32, #tpu.memory_space<vmem>>, %arg4: memref<512x300xf32, #tpu.memory_space<vmem>>) attributes {dimension_semantics = [#tpu.dimension_semantics<arbitrary>], iteration_bounds = array<i64: 8>, scalar_prefetch = 0 : i64, scratch_operands = 0 : i64, tpu.core_type = #tpu.core_type<tc>, window_params = [{transform_indices = @transform_0, window_bounds = array<i64: 512, 304>}, {pipeline_mode = #tpu.pipeline_mode<synchronous>, transform_indices = @transform_1, window_bounds = array<i64: 300, 304>}, {pipeline_mode = #tpu.pipeline_mode<synchronous>, transform_indices = @transform_2, window_bounds = array<i64: 1, 300>}, {transform_indices = @transform_3, window_bounds = array<i64: 512, 300>}]} {
    %get3A = arith.constant 0 : index
    %get3A_0 = arith.constant 0 : index
    %get3A_1 = vector.load %arg1[%get3A, %get3A_0] : memref<512x304xf32, #tpu.memory_space<vmem>>, vector<512x304xf32>
    %get3A_2 = arith.constant 0 : index
    %get3A_3 = arith.constant 0 : index
    %get3A_4 = vector.load %arg2[%get3A_2, %get3A_3] : memref<300x304xf32, #tpu.memory_space<vmem>>, vector<300x304xf32>
    %dot_general3A = arith.constant dense<0.000000e+00> : vector<512x300xf32>
    %dot_general3A_5 = tpu.matmul %get3A_1, %get3A_4, %dot_general3A {dimension_numbers = #tpu.dot_dimension_numbers<[1], [1], [0], [0], [0, 0, 1, 0], [], []>, transpose_lhs_hint = false} : vector<512x304xf32>, vector<300x304xf32>, vector<512x300xf32> -> vector<512x300xf32>
    %get3A_6 = arith.constant 0 : index
    %get3A_7 = arith.constant 0 : index
    %get3A_8 = vector.load %arg3[%get3A_6, %get3A_7] : memref<1x300xf32, #tpu.memory_space<vmem>>, vector<1x300xf32>
    %add3A = vector.broadcast %get3A_8 : vector<1x300xf32> to vector<512x300xf32>
    %add3A_9 = arith.addf %dot_general3A_5, %add3A : vector<512x300xf32>
    %swap3A = arith.constant 0 : index
    %swap3A_10 = arith.constant 0 : index
    %swap3A_11 = vector.load %arg4[%swap3A, %swap3A_10] : memref<512x300xf32, #tpu.memory_space<vmem>>, vector<512x300xf32>
    tpu.vector_store %arg4[%swap3A, %swap3A_10], %add3A_9 {strides = array<i32>} : memref<512x300xf32, #tpu.memory_space<vmem>>, vector<512x300xf32>,
    return
  }
  func.func @transform_0(%arg0: i32) -> (i32, i32) {
    %c0_i32 = arith.constant 0 : i32
    %c0_i32_0 = arith.constant 0 : i32
    return %arg0, %c0_i32 : i32, i32
  }
  func.func @transform_1(%arg0: i32) -> (i32, i32) {
    %c0_i32 = arith.constant 0 : i32
    %c0_i32_0 = arith.constant 0 : i32
    %c0_i32_1 = arith.constant 0 : i32
    return %c0_i32, %c0_i32_0 : i32, i32
  }
  func.func @transform_2(%arg0: i32) -> (i32, i32) {
    %c0_i32 = arith.constant 0 : i32
    %c0_i32_0 = arith.constant 0 : i32
    %c0_i32_1 = arith.constant 0 : i32
    return %c0_i32, %c0_i32_0 : i32, i32
  }
  func.func @transform_3(%arg0: i32) -> (i32, i32) {
    %c0_i32 = arith.constant 0 : i32
    %c0_i32_0 = arith.constant 0 : i32
    return %arg0, %c0_i32 : i32, i32
  }
}

</mosaic_0001>

<sc_bundles>
// kernel: kernel.5.cloned.1.call-start
scs
__scs_entry_jumppad:
0x0: {  	(pc) =	sbr.rel $0x88, $3  }
0x1: {  	(tag) =	ssettag $0x0;
	lr =	simm.s32 $0x1  }
0x2: {  	[smem:$0x3F9D] =	sst lr;
	_ =	strace $0xD0000000  }
0x3: {  	_ = 	snop  }
0x4: {  	_ = 	snop  }
0x5: {  	_ = 	snop  }
0x6: {  	_ = 	snop  }
0x7: {  	_ = 	snop  }
__scs_overlays_trampoline_lowered:
0x8: {  	[smem:$0x3FAC] =	sst s0  }
0x9: {  	[smem:$0x3FAD] =	sst s1  }
0xa: {  	[smem:$0x3FAE] =	sst s2  }
0xb: {  	[smem:$0x3FAF] =	sst s3  }
0xc: {  	[smem:$0x3FB0] =	sst s4  }
0xd: {  	[smem:$0x3FB1] =	sst s5  }
0xe: {  	[smem:$0x3FB2] =	sst s6  }
0xf: {  	[smem:$0x3FB3] =	sst s7  }
0x10: {  	[smem:$0x3FB4] =	sst s8  }
0x11: {  	[smem:$0x3FB5] =	sst s9;
	s0 =	simm.s32 @!p0 $0x0  }
0x12: {  	s1 =	sld [smem:$0x3F9B];
	s0 =	simm.s32 @p0 $0x1  }
0x13: {  	[smem:$0x3FB6] =	sst s0;
	s0 =	simm.s32 @!p1 $0x0  }
0x14: {  	s2 =	sld [smem:$0x3F9A];
	s0 =	simm.s32 @p1 $0x1  }
0x15: {  	[smem:$0x3FB7] =	sst s0;
	s0 =	simm.s32 @!p2 $0x0  }
0x16: {  	s3 =	sld [smem:$0x3FDB];
	s0 =	simm.s32 @p2 $0x1  }
0x17: {  	s4 =	simm.s32 $0x1BF5;
	[smem:$0x3FB9] =	sst s0  }
0x18: {  	s0 =	sld [smem:$0x3F9C];
	_ =	swait.ge [sflag:s4], $0x0  }
0x19: {  	s7 =	sld [smem:$0x3F9D]  }
0x1a: {  	s8 =	sadd.s32 $0xFFFFE003, lr  }
0x1b: {  	s9 =	sadd.s32 $0xFFFFFEF7, lr;
	s5 =	simm.s32 $0xFFFFFFFF;
	p2 =	slt.u32 s8, $0xFFFFF086  }
0x1c: {  	p1 =	slt.u32 s9, $0xF7A;
	s5 =	simm.s32 @!p2 $0x0  }
0x1d: {  	s5 =	simm.s32 @p1 $0x1;
	p0 =	seq.s32 s7, s2  }
0x1e: {  	s7 =	smul.u32 @!p0 $0xF7A, s2;
	p2 =	seq.s32 @!p0 s5, $0x0  }
0x1f: {  	s9 =	smul.u32 $0xF7A, s1;
	s8 =	simm.s32 @!p0 $0x1BF5;
	p2 =	por !p2, p0  }
0x20: {  	[sflag:s8] =	ssyncset.s32 @!p0 $0xFFFFF086;
	s6 =	sadd.s32 @!p0 s3, s7;
	s7 =	simm.s32 @!p0 $0x108  }
0x21: {  	s3 =	sadd.s32 s3, s9;
	s6 =	sadd.s32 @!p0 $0x88, s6;
	s7 =	simm.s32 @p2 $0x1082  }
0x22: {  	[simem:s7], [sflag:s8] =	dma.local @!p0 [hbm:s6], $0xF7A  }
0x23: {  	s9 =	sor.u32 $0xD0000000, s2;
	s6 =	simm.s32 $0x108;
	_ =	swait.ge @!p0 [sflag:s8], $0x0  }
0x24: {  	s3 =	sadd.s32 $0x88, s3;
	s6 =	simm.s32 @!p1 $0x1082;
	[sflag:s4] =	ssyncset.s32 $0xFFFFF086  }
0x25: {  	[simem:s6], [sflag:s4] =	dma.local [hbm:s3], $0xF7A  }
0x26: {  	[smem:$0x3F9D] =	sst s1;
	(tag) =	ssettag s2;
	_ =	strace s9  }
0x27: {  	s1 =	sld [smem:$0x3FAD]  }
0x28: {  	s2 =	sld [smem:$0x3FAE]  }
0x29: {  	s4 =	sld [smem:$0x3FB0]  }
0x2a: {  	p0 =	seq.s32 s5, $0x0;
	s5 =	sld [smem:$0x3FB1]  }
0x2b: {  	s6 =	sld [smem:$0x3FB2]  }
0x2c: {  	s7 =	sld [smem:$0x3FB3]  }
0x2d: {  	s3 =	simm.s32 $0x108;
	s8 =	sld [smem:$0x3FB4]  }
0x2e: {  	s3 =	simm.s32 @!p0 $0x1082;
	s9 =	sld [smem:$0x3FB5]  }
0x2f: {  	lr =	sadd.s32 s0, s3;
	s0 =	sld [smem:$0x3FAC]  }
0x30: {  	s3 =	sld [smem:$0x3FAF]  }
0x31: {  	[smem:$0x3FB8] =	sst s10  }
0x32: {  	s10 =	sld [smem:$0x3FB6];
	_ =	sdelay $0x3  }
0x33: {  	p0 =	seq.s32 s10, $0x1;
	s10 =	sld [smem:$0x3FB8];
	_ =	sdelay $0x3  }
0x34: {  	[smem:$0x3FB8] =	sst s10  }
0x35: {  	s10 =	sld [smem:$0x3FB7];
	_ =	sdelay $0x3  }
0x36: {  	p1 =	seq.s32 s10, $0x1;
	s10 =	sld [smem:$0x3FB8];
	_ =	sdelay $0x3  }
0x37: {  	[smem:$0x3FB8] =	sst s10  }
0x38: {  	s10 =	sld [smem:$0x3FB9]  }
0x39: {  	_ = 	snop;
	(pc) =	sbr.ind lr, $3  }
0x3a: {  	_ = 	snop  }
0x3b: {  	_ = 	snop  }
0x3c: {  	p2 =	seq.s32 s10, $0x1;
	s10 =	sld [smem:$0x3FB8]  }
0x3d: {  	_ =	shalt  }
0x3e: {  	_ =	shalt  }
0x3f: {  	_ =	shalt  }
0x40: {  	_ =	shalt  }
0x41: {  	_ =	shalt  }
0x42: {  	_ =	shalt  }
0x43: {  	_ =	shalt  }
0x44: {  	_ =	shalt  }
0x45: {  	_ =	shalt  }
0x46: {  	_ =	shalt  }
0x47: {  	_ =	shalt  }
0x48: {  	_ =	shalt  }
0x49: {  	_ =	shalt  }
0x4a: {  	_ =	shalt  }
0x4b: {  	_ =	shalt  }
0x4c: {  	_ =	shalt  }
0x4d: {  	_ =	shalt  }
0x4e: {  	_ =	shalt  }
0x4f: {  	_ =	shalt  }
0x50: {  	_ =	shalt  }
0x51: {  	_ =	shalt  }
0x52: {  	_ =	shalt  }
0x53: {  	_ =	shalt  }
0x54: {  	_ =	shalt  }
0x55: {  	_ =	shalt  }
0x56: {  	_ =	shalt  }
0x57: {  	_ =	shalt  }
0x58: {  	_ =	shalt  }
0x59: {  	_ =	shalt  }
0x5a: {  	_ =	shalt  }
0x5b: {  	_ =	shalt  }
0x5c: {  	_ =	shalt  }
0x5d: {  	_ =	shalt  }
0x5e: {  	_ =	shalt  }
0x5f: {  	_ =	shalt  }
0x60: {  	_ =	shalt  }
0x61: {  	_ =	shalt  }
0x62: {  	_ =	shalt  }
0x63: {  	_ =	shalt  }
0x64: {  	_ =	shalt  }
0x65: {  	_ =	shalt  }
0x66: {  	_ =	shalt  }
0x67: {  	_ =	shalt  }
0x68: {  	_ =	shalt  }
0x69: {  	_ =	shalt  }
0x6a: {  	_ =	shalt  }
0x6b: {  	_ =	shalt  }
0x6c: {  	_ =	shalt  }
0x6d: {  	_ =	shalt  }
0x6e: {  	_ =	shalt  }
0x6f: {  	_ =	shalt  }
0x70: {  	_ =	shalt  }
0x71: {  	_ =	shalt  }
0x72: {  	_ =	shalt  }
0x73: {  	_ =	shalt  }
0x74: {  	_ =	shalt  }
0x75: {  	_ =	shalt  }
0x76: {  	_ =	shalt  }
0x77: {  	_ =	shalt  }
0x78: {  	_ =	shalt  }
0x79: {  	_ =	shalt  }
0x7a: {  	_ =	shalt  }
0x7b: {  	_ =	shalt  }
0x7c: {  	_ =	shalt  }
0x7d: {  	_ =	shalt  }
0x7e: {  	_ =	shalt  }
0x7f: {  	_ =	shalt  }
0x80: {  	_ =	shalt  }
0x81: {  	_ =	shalt  }
0x82: {  	_ =	shalt  }
0x83: {  	_ =	shalt  }
0x84: {  	_ =	shalt  }
0x85: {  	_ =	shalt  }
0x86: {  	_ =	shalt  }
0x87: {  	_ =	shalt  }
.Lfunc_end0:
.L_simem_size_0:
called_computation_lowered:
.L_overlay_start_0:
0x88: {  	s2 =	sld [smem:$0x3FD9]  }
0x89: {  	s3 =	sld [smem:$0x3FFE];
	_ =	sdelay $0x1  }
0x8a: {  	s1 =	srdreg.scid  }
0x8b: {  	s0 =	sand.u32 $0x1, s1  }
0x8c: {  	s17 =	sshll.u32 s0, $0xA;
	s2 =	sadd.s32 s3, s2  }
0x8d: {  	s2 =	sadd.s32 s2, s17  }
0x8e: {  	[smem:$0x3FC4] =	sst s2  }
0x8f: {  	_ = 	snop  }
0x90: {  	s2 =	sld [smem:$0x3FD0];
	(tm) =	ssettm $0x1  }
0x91: {  	s18 =	sld [smem:$0x3FFB];
	_ =	sdelay $0x3  }
0x92: {  	_ =	strace s18  }
0x93: {  	s3 =	sld [smem:$0x3FFC];
	_ =	sdelay $0x3  }
0x94: {  	_ =	strace s3  }
0x95: {  	s3 =	sld [smem:$0x3FFD];
	_ =	sdelay $0x3  }
0x96: {  	_ =	strace s3  }
0x97: {  	_ =	strace $0x8FFFFFFF  }
0x98: {  	s19 =	sld [smem:$0x3FDB];
	_ =	sdelay $0x1  }
0x99: {  	s4 =	simm.s32 $_scs_section_size  }
0x9a: {  	s5 =	simm.s32 $_size__tile_overlayer_lowered;
	s6 =	simm.s32 $_tile_overlayer_lowered  }
0x9b: {  	s22 =	simm.s32 $0x1BFF;
	s21 =	sshll.u32 s6, $0x1;
	s3 =	sadd.s32 s4, s19  }
0x9c: {  	s7 =	simm.s32 $0x0;
	s20 =	sshll.u32 s5, $0x1;
	s5 =	sadd.s32 s21, s3  }
0x9d: {  	[timem:s7], [sflag:s22] =	dma.local [hbm:s5], s20  }
0x9e: {  	_ =	swait.ge [sflag:s22], s20  }
0x9f: {  	s4 =	ssub.s32 $0x0, s20;
	[sflag:s22] =	ssyncset.done $0x0  }
0xa0: {  	[sflag:s22] =	ssyncadd.s32 s4;
	_ =	sdelay $0x1  }
0xa1: {  	s23 =	simm.s32 $0x1B8B  }
0xa2: {  	_ =	swait.ge [sflag:s23], $0x1  }
0xa3: {  	[sflag:s23] =	ssyncset.done $0x0  }
0xa4: {  	s25 =	simm.s32 $0x1B8E;
	s24 =	sld [smem:$0x3FFE];
	[sflag:s23] =	ssyncadd.s32 $0xFFFFFFFF  }
0xa5: {  	s26 =	simm.s32 $execute0_lowered;
	[smem:$0x3FD2] =	sst s25  }
0xa6: {  	s5 =	sshll.u32 s26, $0x1;
	_ =	strace $0x80000046;
	[dreg:$0x1] =	wrdreg $0xFFFFFFFF  }
0xa7: {  	s28 =	simm.s32 $_size_execute0_lowered;
	s3 =	sadd.s32 s3, s5;
	[dreg:$0x0] =	wrdreg $0x0  }
0xa8: {  	s5 =	sshll.u32 s28, $0x1;
	[dreg:$0x2] =	wrdreg s3  }
0xa9: {  	[dreg:$0x3] =	wrdreg s5  }
0xaa: {  	[dreg:$0x4] =	wrdreg $0xC0  }
0xab: {  	_ =	task [dreg:s7], $0x5FFFF  }
0xac: {  	[dreg:$0x1] =	wrdreg $0xFFFFFFFF  }
0xad: {  	[dreg:$0x0] =	wrdreg $0x60  }
0xae: {  	[dreg:$0x2] =	wrdreg s24  }
0xaf: {  	[dreg:$0x3] =	wrdreg s2  }
0xb0: {  	[dreg:$0x4] =	wrdreg $0x9  }
0xb1: {  	_ =	task.clear_ibuf [dreg:s7], $0x5FFFF;
	_ =	strace $0x90000046  }
0xb2: {  	s29 =	simm.s32 $0x9;
	_ =	strace $0x80000048  }
0xb3: {  	_ =	swait.ge [sflag:s29], $0x1  }
0xb4: {  	[sflag:s29] =	ssyncadd.s32 $0xFFFFFFFF  }
0xb5: {  	_ =	strace $0x90000048  }
0xb6: {  	_ =	sfence  }
0xb7: {  	s30 =	sld [smem:$0x0];
	_ =	sdelay $0x2  }
0xb8: {  	s31 =	sshll.u32 s1, $0xD;
	s1 =	sshrl.u32 s1, $0x2  }
0xb9: {  	s3 =	sand.u32 $0x4000, s31;
	s1 =	sadd.s32 s1, s30  }
0xba: {  	s0 =	sor.u32 s3, s0;
	s1 =	sshll.u32 s1, $0x11  }
0xbb: {  	s0 =	sor.u32 s1, s0  }
0xbc: {  	s0 =	sadd.s32 $0x8F2B, s0  }
0xbd: {  	[sflag:s0] =	ssyncadd.remote.s32 $0x1  }
0xbe: {  	_ =	sfence.sel $0xFFFF  }
0xbf: {  	[dreg:$0x0] =	wrdreg $0xFFFFFFFF;
	(pc) =	sbr.abs _section_cstart, $3  }
0xc0: {  	[dreg:$0x1] =	wrdreg $0xFFFFFFFF  }
0xc1: {  	_ =	task.clear_ibuf [dreg:s7], $0x2FFFF;
	_ =	strace $0x9FFFFFFF  }
0xc2: {  	(tm) =	ssettm $0x7FFFFFFF  }
0xc3: {  	_ =	shalt  }
tec
execute0_lowered:
.L_overlay_start_1:
0x0: {  	(tag) =	ssettag $0x1  }
0x1: {  	s1 =	srdreg.scid;
	s4 =	rddreg [dreg:$0x0]  }
0x2: {  	s0 =	stileid.u32;
	s5 =	rddreg [dreg:$0x1];
	s2 =	simm.s32 $0x0  }
0x3: {  	s10 =	simm.s32 $0x38;
	s11 =	simm.s32 $0x5760;
	s12 =	simm.s32 $0x1  }
0x4: {  	s13 =	simm.s32 $0x2;
	s14 =	simm.s32 $0x92C0;
	s3 =	sand.u32 $0x1, s1  }
0x5: {  	s15 =	simm.s32 $0x0;
	s6 =	sshll.u32 s0, $0x8;
	s7 =	sshll.u32 s3, $0x7  }
0x6: {  	s21 =	simm.s32 $0x0;
	s1 =	rddreg [dreg:$0x2];
	s6 =	sor.u32 s7, s6  }
0x7: {  	[smem:$0x7FF] =	sst s2;
	s8 =	ssub.s32 $0x2, s3;
	s7 =	smul.u32 $0x7, s6  }
0x8: {  	_ =	strace $0x80000047;
	s9 =	sshrl.u32 s8, $0x1;
	s6 =	smul.u32 $0x26, s6  }
0x9: {  	s3 =	sadd.s32 $0xA00, s4;
	s31 =	ssub.s32 s8, s9;
	s8 =	simm.s32 $0x32  }
0xa: {  	s9 =	simm.s32 $0x1C00;
	s4 =	sadd.s32 s7, s4;
	s5 =	sadd.s32 s5, s6  }
0xb: {  	s6 =	smax.u32 s31, $0x1;
	s7 =	simm.s32 $0x3;
	s4 =	sadd.s32 $0x3A0600, s4  }
.LBB2_1:
0xc: {  	[tilespmem:s2], [sflag:$0x3] =	stream.linear.gather [hbm4b:s4+s2], $0x1C00, $0x38;
	[tilespmem:$0x12AC0] =	vst v63  }
0xd: {  	_ =	swait.ge [sflag:s7], $0x1C00  }
0xe: {  	[sflag:s7] =	ssyncset.done $0x0  }
0xf: {  	[sflag:s7] =	ssyncadd.s32 $0xFFFFE400  }
0x10: {  	[tilespmem:s9], [sflag:$0x1] =	stream.indirect.gather [hbm4b:s3+s8], $0x130, s2, s8, $0xb8;
	[tilespmem:$0x12AC0] =	vst v63  }
0x11: {  	s16 =	simm.s32 $0x0  }
0x12: {  	[tilespmem:s11], [sflag:$0x2] =	stream.indirect.gather [hbm4b:s3+s8], $0x130, s10, s8, $0xb8;
	[tilespmem:$0x12AC0] =	vst v63  }
.LBB2_2:
0x13: {  	_ =	swait.ge [sflag:s12], $0x3B60  }
0x14: {  	[sflag:s12] =	ssyncset.done $0x0  }
0x15: {  	s19 =	simm.s32 $0x0;
	[sflag:s12] =	ssyncadd.s32 $0xFFFFC4A0  }
0x16: {  	v0 =	vld [tilespmem:s19+$0x1D20]  }
0x17: {  	v2 =	vld [tilespmem:s19+$0x1C00]  }
0x18: {  	v3 =	vld [tilespmem:s19+$0x1C10]  }
0x19: {  	v4 =	vld [tilespmem:s19+$0x1C20]  }
0x1a: {  	v5 =	vld [tilespmem:s19+$0x1C30]  }
0x1b: {  	v6 =	vld [tilespmem:s19+$0x1C40]  }
0x1c: {  	v7 =	vld [tilespmem:s19+$0x1C50]  }
0x1d: {  	v8 =	vld [tilespmem:s19+$0x1C60]  }
0x1e: {  	v9 =	vld [tilespmem:s19+$0x1C70]  }
0x1f: {  	v10 =	vld [tilespmem:s19+$0x1C80]  }
0x20: {  	v1 =	vimm.f32 $0.0e+00;
	v19 =	vld [tilespmem:s19+$0x1C90]  }
0x21: {  	v20 =	vld [tilespmem:s19+$0x1CA0];
	v0 =	vadd.f32 v0, v1;
	v17 =	vadd.f32 v2, v1  }
0x22: {  	v2 =	vld [tilespmem:s19+$0x1CB0];
	v18 =	vadd.f32 v3, v1;
	v16 =	vadd.f32 v4, v1  }
0x23: {  	v3 =	vld [tilespmem:s19+$0x1CC0];
	v15 =	vadd.f32 v5, v1;
	v14 =	vadd.f32 v6, v1  }
0x24: {  	v23 =	vld [tilespmem:s19+$0x1CD0];
	v13 =	vadd.f32 v7, v1;
	v12 =	vadd.f32 v8, v1  }
0x25: {  	v22 =	vld [tilespmem:s19+$0x1CE0];
	v11 =	vadd.f32 v9, v1;
	v10 =	vadd.f32 v10, v1  }
0x26: {  	v21 =	vld [tilespmem:s19+$0x1CF0];
	v9 =	vadd.f32 v19, v1;
	v8 =	vadd.f32 v20, v1  }
0x27: {  	v19 =	vld [tilespmem:s19+$0x1D00];
	v5 =	vimm.f32 $0.0e+00;
	v6 =	vimm.f32 $0.0e+00;
	v7 =	vadd.f32 v2, v1  }
0x28: {  	s17 =	simm.s32 $0x130;
	s18 =	simm.s32 $0x980;
	v20 =	vld [tilespmem:s19+$0x1D10];
	v4 =	vadd.f32 v3, v1;
	v3 =	vimm.f32 $0.0e+00;
	v2 =	vimm.f32 $0.0e+00  }
.LBB2_3:
0x29: {  	p0 =	sne.s32 s18, $0xE8C0;
	v24 =	vld [tilespmem:s17+$0x1D20];
	v1 =	vadd.f32 v23, v1  }
0x2a: {  	v23 =	vld [tilespmem:s17+$0x1C00];
	v5 =	vadd.f32 v22, v5  }
0x2b: {  	v22 =	vld [tilespmem:s17+$0x1C10];
	v6 =	vadd.f32 v21, v6  }
0x2c: {  	v21 =	vld [tilespmem:s17+$0x1C20];
	v3 =	vadd.f32 v19, v3  }
0x2d: {  	v19 =	vld [tilespmem:s17+$0x1C30];
	v2 =	vadd.f32 v20, v2  }
0x2e: {  	v20 =	vld [tilespmem:s17+$0x1C40];
	v0 =	vadd.f32 v24, v0  }
0x2f: {  	v17 =	vadd.f32 v23, v17;
	v23 =	vld [tilespmem:s17+$0x1C50]  }
0x30: {  	v18 =	vadd.f32 v22, v18;
	v22 =	vld [tilespmem:s17+$0x1C60]  }
0x31: {  	v16 =	vadd.f32 v21, v16;
	v21 =	vld [tilespmem:s17+$0x1C70]  }
0x32: {  	v15 =	vadd.f32 v19, v15;
	v19 =	vld [tilespmem:s17+$0x1C80]  }
0x33: {  	v14 =	vadd.f32 v20, v14;
	v20 =	vld [tilespmem:s17+$0x1C90]  }
0x34: {  	v13 =	vadd.f32 v23, v13;
	v24 =	vld [tilespmem:s17+$0x1CA0]  }
0x35: {  	v12 =	vadd.f32 v22, v12;
	v25 =	vld [tilespmem:s17+$0x1CB0]  }
0x36: {  	v11 =	vadd.f32 v21, v11;
	v26 =	vld [tilespmem:s17+$0x1CC0]  }
.Ltmp0:
0x37: {  	v10 =	vadd.f32 v19, v10;
	v23 =	vld [tilespmem:s17+$0x1CD0];
	(pc) =	sbr.rel @p0 .LBB2_3-.Ltmp0, $4  }
0x38: {  	v9 =	vadd.f32 v20, v9;
	v22 =	vld [tilespmem:s17+$0x1CE0]  }
0x39: {  	v8 =	vadd.f32 v24, v8;
	v21 =	vld [tilespmem:s17+$0x1CF0]  }
0x3a: {  	v7 =	vadd.f32 v25, v7;
	v19 =	vld [tilespmem:s17+$0x1D00]  }
0x3b: {  	v4 =	vadd.f32 v26, v4;
	v20 =	vld [tilespmem:s17+$0x1D10];
	s17 =	sshra.s32 s18, $0x2;
	s18 =	sadd.s32 $0x4C0, s18  }
0x3c: {  	v24 =	vld [tilespmem:s17+$0x1D20]  }
0x3d: {  	v25 =	vld [tilespmem:s17+$0x1C00]  }
0x3e: {  	v26 =	vld [tilespmem:s17+$0x1C10]  }
0x3f: {  	v27 =	vld [tilespmem:s17+$0x1C20]  }
0x40: {  	v28 =	vld [tilespmem:s17+$0x1C30]  }
0x41: {  	v29 =	vld [tilespmem:s17+$0x1C40]  }
0x42: {  	v30 =	vld [tilespmem:s17+$0x1C50]  }
0x43: {  	v31 =	vld [tilespmem:s17+$0x1C60]  }
0x44: {  	v32 =	vld [tilespmem:s17+$0x1C70]  }
0x45: {  	v33 =	vld [tilespmem:s17+$0x1C80]  }
0x46: {  	v34 =	vld [tilespmem:s17+$0x1C90]  }
0x47: {  	v35 =	vld [tilespmem:s17+$0x1CA0]  }
0x48: {  	v36 =	vld [tilespmem:s17+$0x1CB0]  }
0x49: {  	v37 =	vld [tilespmem:s17+$0x1CC0]  }
0x4a: {  	v38 =	vld [tilespmem:s17+$0x1CD0]  }
0x4b: {  	v60 =	vld [tilespmem:s17+$0x1CE0];
	v17 =	vadd.f32 v25, v17  }
0x4c: {  	v61 =	vld [tilespmem:s17+$0x1CF0];
	s18 =	smul.u32 $0x980, s16;
	v18 =	vadd.f32 v26, v18  }
0x4d: {  	v62 =	vld [tilespmem:s17+$0x1D00];
	v16 =	vadd.f32 v27, v16;
	v17 =	vmul.f32 $1.999999960e-02, v17  }
0x4e: {  	v63 =	vld [tilespmem:s17+$0x1D10];
	s17 =	sshra.s32 s18, $0x2;
	v15 =	vadd.f32 v28, v15;
	v18 =	vmul.f32 $1.999999960e-02, v18  }
0x4f: {  	v14 =	vadd.f32 v29, v14;
	v16 =	vmul.f32 $1.999999960e-02, v16;
	[tilespmem:s17+$0x92C0] =	vst v17  }
0x50: {  	v13 =	vadd.f32 v30, v13;
	v15 =	vmul.f32 $1.999999960e-02, v15;
	[tilespmem:s17+$0x92D0] =	vst v18  }
0x51: {  	v12 =	vadd.f32 v31, v12;
	v14 =	vmul.f32 $1.999999960e-02, v14;
	[tilespmem:s17+$0x92E0] =	vst v16  }
0x52: {  	v11 =	vadd.f32 v32, v11;
	v13 =	vmul.f32 $1.999999960e-02, v13;
	[tilespmem:s17+$0x92F0] =	vst v15  }
0x53: {  	v10 =	vadd.f32 v33, v10;
	v12 =	vmul.f32 $1.999999960e-02, v12;
	[tilespmem:s17+$0x9300] =	vst v14  }
0x54: {  	v9 =	vadd.f32 v34, v9;
	v11 =	vmul.f32 $1.999999960e-02, v11;
	[tilespmem:s17+$0x9310] =	vst v13  }
0x55: {  	v8 =	vadd.f32 v35, v8;
	v10 =	vmul.f32 $1.999999960e-02, v10;
	[tilespmem:s17+$0x9320] =	vst v12  }
0x56: {  	v1 =	vadd.f32 v23, v1;
	v7 =	vadd.f32 v36, v7;
	v9 =	vmul.f32 $1.999999960e-02, v9;
	[tilespmem:s17+$0x9330] =	vst v11  }
0x57: {  	v3 =	vadd.f32 v19, v3;
	v4 =	vadd.f32 v37, v4;
	v8 =	vmul.f32 $1.999999960e-02, v8;
	[tilespmem:s17+$0x9340] =	vst v10  }
0x58: {  	v1 =	vadd.f32 v38, v1;
	v7 =	vmul.f32 $1.999999960e-02, v7;
	[tilespmem:s17+$0x9350] =	vst v9  }
0x59: {  	v6 =	vadd.f32 v21, v6;
	v3 =	vadd.f32 v62, v3;
	v4 =	vmul.f32 $1.999999960e-02, v4;
	[tilespmem:s17+$0x9360] =	vst v8  }
0x5a: {  	v5 =	vadd.f32 v22, v5;
	v0 =	vadd.f32 v24, v0;
	v1 =	vmul.f32 $1.999999960e-02, v1;
	[tilespmem:s17+$0x9370] =	vst v7  }
0x5b: {  	v2 =	vadd.f32 v20, v2;
	v6 =	vadd.f32 v61, v6;
	v3 =	vmul.f32 $1.999999960e-02, v3;
	[tilespmem:s17+$0x9380] =	vst v4  }
0x5c: {  	s18 =	sshll.u32 s16, $0x1;
	v5 =	vadd.f32 v60, v5;
	v0 =	vmul.f32 $1.999999960e-02, v0;
	[tilespmem:s17+$0x9390] =	vst v1  }
0x5d: {  	s19 =	sadd.s32 $0x2, s18;
	v2 =	vadd.f32 v63, v2;
	v1 =	vmul.f32 $1.999999960e-02, v6;
	[tilespmem:s17+$0x93C0] =	vst v3  }
0x5e: {  	s19 =	sand.u32 $0x7E, s19;
	v4 =	vmul.f32 $1.999999960e-02, v5;
	[tilespmem:s17+$0x93E0] =	vst v0  }
0x5f: {  	s19 =	smul.u32 $0xE0, s19;
	[tilespmem:s17+$0x93B0] =	vst v1;
	v1 =	vmul.f32 $1.999999960e-02, v2  }
0x60: {  	[tilespmem:s17+$0x93A0] =	vst v4  }
0x61: {  	s19 =	sshrl.u32 s19, $0x2;
	[tilespmem:s17+$0x93D0] =	vst v1  }
0x62: {  	[tilespmem:s9], [sflag:$0x1] =	stream.indirect.gather [hbm4b:s3+s8], $0x130, s19, s8, $0xb8;
	[tilespmem:$0x12AC0] =	vst v63  }
0x63: {  	_ =	swait.ge [sflag:s13], $0x3B60  }
0x64: {  	[sflag:s13] =	ssyncset.done $0x0  }
0x65: {  	[sflag:s13] =	ssyncadd.s32 $0xFFFFC4A0  }
0x66: {  	v0 =	vld [tilespmem:s21+$0x5880]  }
0x67: {  	v2 =	vld [tilespmem:s21+$0x5760]  }
0x68: {  	v3 =	vld [tilespmem:s21+$0x5770]  }
0x69: {  	v4 =	vld [tilespmem:s21+$0x5780]  }
0x6a: {  	v5 =	vld [tilespmem:s21+$0x5790]  }
0x6b: {  	v6 =	vld [tilespmem:s21+$0x57A0]  }
0x6c: {  	v7 =	vld [tilespmem:s21+$0x57B0]  }
0x6d: {  	v8 =	vld [tilespmem:s21+$0x57C0]  }
0x6e: {  	v9 =	vld [tilespmem:s21+$0x57D0]  }
0x6f: {  	v10 =	vld [tilespmem:s21+$0x57E0]  }
0x70: {  	v1 =	vimm.f32 $0.0e+00;
	v19 =	vld [tilespmem:s21+$0x57F0]  }
0x71: {  	v20 =	vld [tilespmem:s21+$0x5800];
	v0 =	vadd.f32 v0, v1;
	v17 =	vadd.f32 v2, v1  }
0x72: {  	v2 =	vld [tilespmem:s21+$0x5810];
	v18 =	vadd.f32 v3, v1;
	v16 =	vadd.f32 v4, v1  }
0x73: {  	v3 =	vld [tilespmem:s21+$0x5820];
	v15 =	vadd.f32 v5, v1;
	v14 =	vadd.f32 v6, v1  }
0x74: {  	v23 =	vld [tilespmem:s21+$0x5830];
	v13 =	vadd.f32 v7, v1;
	v12 =	vadd.f32 v8, v1  }
0x75: {  	v22 =	vld [tilespmem:s21+$0x5840];
	v11 =	vadd.f32 v9, v1;
	v10 =	vadd.f32 v10, v1  }
0x76: {  	v21 =	vld [tilespmem:s21+$0x5850];
	v9 =	vadd.f32 v19, v1;
	v8 =	vadd.f32 v20, v1  }
0x77: {  	v19 =	vld [tilespmem:s21+$0x5860];
	v5 =	vimm.f32 $0.0e+00;
	v6 =	vimm.f32 $0.0e+00;
	v7 =	vadd.f32 v2, v1  }
0x78: {  	s20 =	simm.s32 $0x980;
	s19 =	simm.s32 $0x130;
	v20 =	vld [tilespmem:s21+$0x5870];
	v4 =	vadd.f32 v3, v1;
	v3 =	vimm.f32 $0.0e+00;
	v2 =	vimm.f32 $0.0e+00  }
.LBB2_5:
0x79: {  	p0 =	sne.s32 s20, $0xE8C0;
	v24 =	vld [tilespmem:s19+$0x5880];
	v1 =	vadd.f32 v23, v1  }
0x7a: {  	v23 =	vld [tilespmem:s19+$0x5760];
	v5 =	vadd.f32 v22, v5  }
0x7b: {  	v22 =	vld [tilespmem:s19+$0x5770];
	v6 =	vadd.f32 v21, v6  }
0x7c: {  	v21 =	vld [tilespmem:s19+$0x5780];
	v3 =	vadd.f32 v19, v3  }
0x7d: {  	v19 =	vld [tilespmem:s19+$0x5790];
	v2 =	vadd.f32 v20, v2  }
0x7e: {  	v20 =	vld [tilespmem:s19+$0x57A0];
	v0 =	vadd.f32 v24, v0  }
0x7f: {  	v17 =	vadd.f32 v23, v17;
	v23 =	vld [tilespmem:s19+$0x57B0]  }
0x80: {  	v18 =	vadd.f32 v22, v18;
	v22 =	vld [tilespmem:s19+$0x57C0]  }
0x81: {  	v16 =	vadd.f32 v21, v16;
	v21 =	vld [tilespmem:s19+$0x57D0]  }
0x82: {  	v15 =	vadd.f32 v19, v15;
	v19 =	vld [tilespmem:s19+$0x57E0]  }
0x83: {  	v14 =	vadd.f32 v20, v14;
	v20 =	vld [tilespmem:s19+$0x57F0]  }
0x84: {  	v13 =	vadd.f32 v23, v13;
	v24 =	vld [tilespmem:s19+$0x5800]  }
0x85: {  	v12 =	vadd.f32 v22, v12;
	v25 =	vld [tilespmem:s19+$0x5810]  }
0x86: {  	v11 =	vadd.f32 v21, v11;
	v26 =	vld [tilespmem:s19+$0x5820]  }
.Ltmp1:
0x87: {  	v10 =	vadd.f32 v19, v10;
	v23 =	vld [tilespmem:s19+$0x5830];
	(pc) =	sbr.rel @p0 .LBB2_5-.Ltmp1, $4  }
0x88: {  	v9 =	vadd.f32 v20, v9;
	v22 =	vld [tilespmem:s19+$0x5840]  }
0x89: {  	v8 =	vadd.f32 v24, v8;
	v21 =	vld [tilespmem:s19+$0x5850]  }
0x8a: {  	v7 =	vadd.f32 v25, v7;
	v19 =	vld [tilespmem:s19+$0x5860]  }
0x8b: {  	v4 =	vadd.f32 v26, v4;
	v20 =	vld [tilespmem:s19+$0x5870];
	s19 =	sshra.s32 s20, $0x2;
	s20 =	sadd.s32 $0x4C0, s20  }
0x8c: {  	v24 =	vld [tilespmem:s19+$0x5880]  }
0x8d: {  	v25 =	vld [tilespmem:s19+$0x5760]  }
0x8e: {  	v26 =	vld [tilespmem:s19+$0x5770]  }
0x8f: {  	v27 =	vld [tilespmem:s19+$0x5780]  }
0x90: {  	v28 =	vld [tilespmem:s19+$0x5790]  }
0x91: {  	v29 =	vld [tilespmem:s19+$0x57A0]  }
0x92: {  	v30 =	vld [tilespmem:s19+$0x57B0]  }
0x93: {  	v31 =	vld [tilespmem:s19+$0x57C0]  }
0x94: {  	v32 =	vld [tilespmem:s19+$0x57D0]  }
0x95: {  	v33 =	vld [tilespmem:s19+$0x57E0]  }
0x96: {  	v34 =	vld [tilespmem:s19+$0x57F0]  }
0x97: {  	v35 =	vld [tilespmem:s19+$0x5800]  }
0x98: {  	v36 =	vld [tilespmem:s19+$0x5810]  }
0x99: {  	v37 =	vld [tilespmem:s19+$0x5820]  }
0x9a: {  	v38 =	vld [tilespmem:s19+$0x5830];
	v17 =	vadd.f32 v25, v17  }
0x9b: {  	v57 =	vld [tilespmem:s19+$0x5840];
	v18 =	vadd.f32 v26, v18  }
0x9c: {  	v58 =	vld [tilespmem:s19+$0x5850];
	v16 =	vadd.f32 v27, v16;
	v17 =	vmul.f32 $1.999999960e-02, v17  }
0x9d: {  	v59 =	vld [tilespmem:s19+$0x5860];
	v15 =	vadd.f32 v28, v15;
	v18 =	vmul.f32 $1.999999960e-02, v18  }
0x9e: {  	v60 =	vld [tilespmem:s19+$0x5870];
	v14 =	vadd.f32 v29, v14;
	v16 =	vmul.f32 $1.999999960e-02, v16;
	[tilespmem:s17+$0x93F0] =	vst v17  }
0x9f: {  	v13 =	vadd.f32 v30, v13;
	v15 =	vmul.f32 $1.999999960e-02, v15;
	[tilespmem:s17+$0x9400] =	vst v18  }
0xa0: {  	v12 =	vadd.f32 v31, v12;
	v14 =	vmul.f32 $1.999999960e-02, v14;
	[tilespmem:s17+$0x9410] =	vst v16  }
0xa1: {  	v11 =	vadd.f32 v32, v11;
	v13 =	vmul.f32 $1.999999960e-02, v13;
	[tilespmem:s17+$0x9420] =	vst v15  }
0xa2: {  	v10 =	vadd.f32 v33, v10;
	v12 =	vmul.f32 $1.999999960e-02, v12;
	[tilespmem:s17+$0x9430] =	vst v14  }
0xa3: {  	v9 =	vadd.f32 v34, v9;
	v11 =	vmul.f32 $1.999999960e-02, v11;
	[tilespmem:s17+$0x9440] =	vst v13  }
0xa4: {  	v8 =	vadd.f32 v35, v8;
	v10 =	vmul.f32 $1.999999960e-02, v10;
	[tilespmem:s17+$0x9450] =	vst v12  }
0xa5: {  	v1 =	vadd.f32 v23, v1;
	v7 =	vadd.f32 v36, v7;
	v9 =	vmul.f32 $1.999999960e-02, v9;
	[tilespmem:s17+$0x9460] =	vst v11  }
0xa6: {  	v5 =	vadd.f32 v22, v5;
	v4 =	vadd.f32 v37, v4;
	v8 =	vmul.f32 $1.999999960e-02, v8;
	[tilespmem:s17+$0x9470] =	vst v10  }
0xa7: {  	v6 =	vadd.f32 v21, v6;
	v1 =	vadd.f32 v38, v1;
	v7 =	vmul.f32 $1.999999960e-02, v7;
	[tilespmem:s17+$0x9480] =	vst v9  }
0xa8: {  	v3 =	vadd.f32 v19, v3;
	v5 =	vadd.f32 v57, v5;
	v4 =	vmul.f32 $1.999999960e-02, v4;
	[tilespmem:s17+$0x9490] =	vst v8  }
0xa9: {  	v6 =	vadd.f32 v58, v6;
	v1 =	vmul.f32 $1.999999960e-02, v1;
	[tilespmem:s17+$0x94A0] =	vst v7  }
0xaa: {  	v2 =	vadd.f32 v20, v2;
	v3 =	vadd.f32 v59, v3;
	v61 =	vmul.f32 $1.999999960e-02, v5;
	[tilespmem:s17+$0x94B0] =	vst v4  }
0xab: {  	s16 =	sadd.s32 $0x1, s16;
	v0 =	vadd.f32 v24, v0;
	v62 =	vmul.f32 $1.999999960e-02, v6;
	[tilespmem:s17+$0x94C0] =	vst v1  }
0xac: {  	s18 =	sadd.s32 $0x3, s18;
	p0 =	sne.s32 s16, $0x40;
	v2 =	vadd.f32 v60, v2;
	v3 =	vmul.f32 $1.999999960e-02, v3;
	[tilespmem:s17+$0x94D0] =	vst v61  }
.Ltmp2:
0xad: {  	s18 =	sand.u32 $0x7F, s18;
	v0 =	vmul.f32 $1.999999960e-02, v0;
	[tilespmem:s17+$0x94E0] =	vst v62;
	(pc) =	sbr.rel @p0 .LBB2_2-.Ltmp2, $4  }
0xae: {  	s18 =	smul.u32 $0xE0, s18;
	v63 =	vmul.f32 $1.999999960e-02, v2;
	[tilespmem:s17+$0x94F0] =	vst v3  }
0xaf: {  	[tilespmem:s17+$0x9510] =	vst v0  }
0xb0: {  	s31 =	sshrl.u32 s18, $0x2;
	[tilespmem:s17+$0x9500] =	vst v63  }
0xb1: {  	[tilespmem:s11], [sflag:$0x2] =	stream.indirect.gather [hbm4b:s3+s8], $0x130, s31, s8, $0xb8;
	[tilespmem:$0x12AC0] =	vst v63  }
0xb2: {  	_ =	swait.ge [sflag:s12], $0x3B60  }
0xb3: {  	[sflag:s12] =	ssyncset.done $0x0  }
0xb4: {  	[sflag:s12] =	ssyncadd.s32 $0xFFFFC4A0  }
0xb5: {  	s15 =	sadd.s32 $0x1, s15;
	_ =	swait.ge [sflag:s13], $0x3B60  }
0xb6: {  	p0 =	sne.s32 s15, s6;
	[sflag:s13] =	ssyncset.done $0x0  }
.Ltmp3:
0xb7: {  	[sflag:s13] =	ssyncadd.s32 $0xFFFFC4A0;
	(pc) =	sbr.rel @p0 .LBB2_1-.Ltmp3, $4  }
0xb8: {  	[hbm4b:s5+s2] =	stream.linear.scatter [tilespmem:s14], [sflag:$0x3], $0x9800, $0x38;
	[tilespmem:$0x12AC0] =	vst v63  }
0xb9: {  	_ =	swait.ge [sflag:s7], $0x9800  }
0xba: {  	[sflag:s7] =	ssyncset.done $0x0  }
0xbb: {  	[sflag:s7] =	ssyncadd.s32 $0xFFFF6800  }
0xbc: {  	_ =	sfence.sel $0x180000  }
0xbd: {  	[bflag:$0x0] =	sbarrier.arrive $0xFFFF  }
0xbe: {  	p0 =	sne.s32 s0, $0x0;
	_ =	strace $0x90000047  }
0xbf: {  	s0 =	sadd.s32 @!p0 $0x100000, s1;
	[bflag:$0x2] =	sbarrier.arrive $0xFFFF  }
0xc0: {  	[sflag:s0] =	ssyncadd.tile.s32 @!p0 $0x1;
	_ =	shalt  }
.Lfunc_end2:
_tile_overlayer_lowered:
.L_overlay_start_2:
0xc1: {  	(tag) =	ssettag $0x2  }
0xc2: {  	s0 =	rddreg [dreg:$0x0];
	s2 =	stileid.u32  }
0xc3: {  	s1 =	rddreg [dreg:$0x1];
	p0 =	sne.s32 s2, $0x0  }
0xc4: {  	s3 =	rddreg [dreg:$0x2];
	[bflag:$0x3] =	sbarrier.arrive $0xFFFF;
	s2 =	simm.s32 @!p0 $0x1C03  }
0xc5: {  	[timem:s3], [sflag:s2] =	dma.local @!p0 [hbm:s0], s1  }
0xc6: {  	s0 =	simm.s32 @!p0 $0x3  }
0xc7: {  	_ =	swait.ge @!p0 [sflag:s0], s1  }
0xc8: {  	s1 =	ssub.s32 @!p0 $0x0, s1;
	[sflag:s0] =	ssyncset.done @!p0 $0x0  }
0xc9: {  	[sflag:s0] =	ssyncadd.s32 @!p0 s1  }
0xca: {  	[bflag:$0x3] =	sbarrier.arrive $0xFFFF  }
0xcb: {  	_ =	shalt  }

</sc_bundles>
